<compile_context>
chip_gen: v7x
topology: tpu7x:2x2x1
jax: 0.10.2.dev20260603
libtpu: 0.0.44.dev20260713+nightly
codegen_flags: <defaults>
</compile_context>

<pallas_src>
import functools

import numpy as np
import jax
import jax.numpy as jnp
from jax import lax
from jax.experimental import pallas as pl
from jax.experimental.pallas import tpu as pltpu
from jax.experimental.pallas import tpu_sc as plsc

K = 8
DIST_FREQ = 5
FEAT_FREQ = 3
DENO = float(np.linalg.norm(np.array([0.004, 0.004, 0.004], dtype=np.float32)))

QB = 512
PB = 2048
BIG_IDX = np.int32(2**30)


def _topk_body(q_ref, p_ref, qsq_ref, psq_ref, out_ref,
               lov_ref, loi_ref, hiv_ref, hii_ref, rv_ref, ri_ref):
    j = pl.program_id(1)
    n_p = pl.num_programs(1)
    HB = PB // 2
    BIGF = jnp.float32(1e9)

    @pl.when(j == 0)
    def _init():
        rv_ref[...] = jnp.full((QB, K), jnp.inf, jnp.float32)
        ri_ref[...] = jnp.full((QB, K), BIGF, jnp.float32)

    qq = q_ref[...]
    pp = p_ref[...]
    qp = lax.dot_general(qq, pp, (((1,), (1,)), ((), ())))
    d2 = (qsq_ref[...] + psq_ref[...][None, :]) - 2.0 * qp

    tau = rv_ref[...][:, K - 1:K]
    cnt = jnp.sum(jnp.where(d2 < tau, 1.0, 0.0), axis=1)
    needed = jnp.minimum(jnp.max(cnt), float(K))

    colbase = j * PB
    a = d2[:, :HB]
    b = d2[:, HB:]
    ia = (lax.broadcasted_iota(jnp.int32, (QB, HB), 1).astype(jnp.float32)
          + jnp.float32(colbase))
    ib = ia + float(HB)
    sel = a <= b
    lov_ref[...] = jnp.where(sel, a, b)
    loi_ref[...] = jnp.where(sel, ia, ib)
    hiv_ref[...] = jnp.where(sel, b, a)
    hii_ref[...] = jnp.where(sel, ib, ia)

    k8 = lax.broadcasted_iota(jnp.int32, (QB, K), 1).astype(jnp.float32)

    for t in range(K):
        @pl.when(float(t) < needed)
        def _extract():
            lov = lov_ref[...]
            loi = loi_ref[...]
            mv = jnp.min(lov, axis=1, keepdims=True)
            mi = jnp.min(jnp.where(lov == mv, loi, BIGF), axis=1, keepdims=True)
            rv = rv_ref[...]
            ri = ri_ref[...]
            lexlt = (rv < mv) | ((rv == mv) & (ri < mi))
            pos = jnp.sum(jnp.where(lexlt, 1.0, 0.0), axis=1, keepdims=True)
            prev_v = jnp.concatenate([rv[:, :1], rv[:, :K - 1]], axis=1)
            prev_i = jnp.concatenate([ri[:, :1], ri[:, :K - 1]], axis=1)
            rv_ref[...] = jnp.where(k8 < pos, rv, jnp.where(k8 == pos, mv, prev_v))
            ri_ref[...] = jnp.where(k8 < pos, ri, jnp.where(k8 == pos, mi, prev_i))
            hit = loi == mi
            lov_ref[...] = jnp.where(hit, hiv_ref[...], lov)
            loi_ref[...] = jnp.where(hit, hii_ref[...], loi)
            hiv_ref[...] = jnp.where(hit, jnp.inf, hiv_ref[...])

    @pl.when(j == n_p - 1)
    def _write():
        out_ref[...] = ri_ref[...].astype(jnp.int32)


def _knn_topk(query_points, neural_xyz, q_sq, p_sq):
    Q = query_points.shape[0]
    P = neural_xyz.shape[0]
    return pl.pallas_call(
        _topk_body,
        grid=(Q // QB, P // PB),
        in_specs=[
            pl.BlockSpec((QB, 3), lambda i, j: (i, 0)),
            pl.BlockSpec((PB, 3), lambda i, j: (j, 0)),
            pl.BlockSpec((QB, 1), lambda i, j: (i, 0)),
            pl.BlockSpec((PB,), lambda i, j: (j,)),
        ],
        out_specs=pl.BlockSpec((QB, K), lambda i, j: (i, 0)),
        out_shape=jax.ShapeDtypeStruct((Q, K), jnp.int32),
        scratch_shapes=[
            pltpu.VMEM((QB, PB // 2), jnp.float32),
            pltpu.VMEM((QB, PB // 2), jnp.float32),
            pltpu.VMEM((QB, PB // 2), jnp.float32),
            pltpu.VMEM((QB, PB // 2), jnp.float32),
            pltpu.VMEM((QB, K), jnp.float32),
            pltpu.VMEM((QB, K), jnp.float32),
        ],
    )(query_points, neural_xyz, q_sq, p_sq)


_B_PER_W = 1024
_CHUNK = 128


def _gather_sc(table, idx_flat):
    B = idx_flat.shape[0]
    D = table.shape[1]
    mesh = plsc.VectorSubcoreMesh(core_axis_name="c", subcore_axis_name="s")

    @functools.partial(
        pl.kernel, mesh=mesh,
        out_type=jax.ShapeDtypeStruct((B, D), jnp.float32),
        scratch_types=[
            pltpu.VMEM((_CHUNK,), jnp.int32),
            pltpu.VMEM((_CHUNK, D), jnp.float32),
            pltpu.SemaphoreType.DMA,
        ],
    )
    def gk(table_hbm, idx_hbm, out_hbm, idx_v, rows_v, sem):
        wid = lax.axis_index("s") * 2 + lax.axis_index("c")
        for c in range(_B_PER_W // _CHUNK):
            base = wid * _B_PER_W + c * _CHUNK
            pltpu.sync_copy(idx_hbm.at[pl.ds(base, _CHUNK)], idx_v)
            pltpu.async_copy(table_hbm.at[idx_v], rows_v, sem).wait()
            pltpu.sync_copy(rows_v, out_hbm.at[pl.ds(base, _CHUNK)])

    return gk(table, idx_flat)


QB3 = 128

def _sel_mats():
    sd = np.zeros((6, 6 * DIST_FREQ), np.float32)
    for d in range(6):
        for f in range(DIST_FREQ):
            sd[d, d * DIST_FREQ + f] = 2.0 ** f
    sf = np.zeros((32, 32 * FEAT_FREQ), np.float32)
    for c in range(32):
        for f in range(FEAT_FREQ):
            sf[c, c * FEAT_FREQ + f] = 2.0 ** f
    return sd, sf

_SELD, _SELF = _sel_mats()


def _encode_body(g_ref, q_ref, cam_ref, campos_ref, rw2c_ref, seld_ref, self_ref, out_ref):
    g = g_ref[...]
    qq = q_ref[...]
    cam = cam_ref[...]
    campos = campos_ref[...]
    rw2c = rw2c_ref[...]
    N = QB3 * K

    def w2pers(xyz):
        sh = xyz - campos
        rot = (sh[:, 0:1] * cam[0:1, :] + sh[:, 1:2] * cam[1:2, :]
               + sh[:, 2:3] * cam[2:3, :])
        z = rot[:, 2:3]
        return rot[:, 0:1] / z, rot[:, 1:2] / z, z

    ref_xyz = g[:, 0:3]
    fea = g[:, 16:48]

    qx, qy, qz = w2pers(qq)
    rx, ry, rz = w2pers(ref_xyz)

    def rep(a):
        return jnp.broadcast_to(a[:, None, :], (QB3, K, 1)).reshape(N, 1)

    xdist = rx * rz - rep(qx * qz)
    ydist = ry * rz - rep(qy * qz)
    zdist = rz - rep(qz)

    qrep = jnp.broadcast_to(qq[:, None, :], (QB3, K, 3)).reshape(N, 3)
    dxyz = (ref_xyz - qrep) / DENO
    drot = lax.dot_general(dxyz, rw2c, (((1,), (0,)), ((), ())))
    dists = jnp.concatenate(
        [drot, xdist / DENO, ydist / DENO, zdist / DENO],
        axis=1)

    def pe_expand(x, sel):
        hi = x.astype(jnp.bfloat16).astype(jnp.float32)
        mid = (x - hi).astype(jnp.bfloat16).astype(jnp.float32)
        lo = x - hi - mid
        dims = (((1,), (0,)), ((), ()))
        return ((lax.dot_general(hi, sel, dims) + lax.dot_general(mid, sel, dims))
                + lax.dot_general(lo, sel, dims))

    dp = pe_expand(dists, seld_ref[...])
    fp = pe_expand(fea, self_ref[...])

    row = jnp.concatenate(
        [fea, jnp.sin(fp), jnp.cos(fp), jnp.sin(dp), jnp.cos(dp)], axis=1)
    out_ref[...] = row.reshape(QB3, K, 284)


def _encode(gathered, query_points, cam, campos, rw2c):
    Q = query_points.shape[0]
    return pl.pallas_call(
        _encode_body,
        grid=(Q // QB3,),
        in_specs=[
            pl.BlockSpec((QB3 * K, 128), lambda i: (i, 0)),
            pl.BlockSpec((QB3, 3), lambda i: (i, 0)),
            pl.BlockSpec((3, 3), lambda i: (0, 0)),
            pl.BlockSpec((1, 3), lambda i: (0, 0)),
            pl.BlockSpec((3, 3), lambda i: (0, 0)),
            pl.BlockSpec((6, 6 * DIST_FREQ), lambda i: (0, 0)),
            pl.BlockSpec((32, 32 * FEAT_FREQ), lambda i: (0, 0)),
        ],
        out_specs=pl.BlockSpec((QB3, K, 284), lambda i: (i, 0, 0)),
        out_shape=jax.ShapeDtypeStruct((Q, K, 284), jnp.float32),
    )(gathered, query_points, cam, campos, rw2c,
      jnp.asarray(_SELD), jnp.asarray(_SELF))


def kernel(query_points, neural_xyz, points_embedding, camrotc2w, campos, sampled_Rw2c):
    Q = query_points.shape[0]
    P = neural_xyz.shape[0]
    q_sq = jnp.sum(query_points * query_points, axis=-1, keepdims=True)
    p_sq = jnp.sum(neural_xyz * neural_xyz, axis=-1)

    assign_index = _knn_topk(query_points, neural_xyz, q_sq, p_sq)

    table = jnp.concatenate(
        [neural_xyz, jnp.zeros((P, 13), jnp.float32), points_embedding,
         jnp.zeros((P, 80), jnp.float32)], axis=1)
    gathered = _gather_sc(table, assign_index.reshape(-1))

    return _encode(gathered, query_points, camrotc2w.reshape(3, 3), campos,
                   sampled_Rw2c)

# --- scband reference (transcript-rebuilt; emitter-appended) ---
"""Pipeline reference for scband-neural-points-ray-marching-43327630082513 (READ-ONLY COPY).

The authoritative reference and input builder live on the scoring server;
editing this copy changes nothing except your own understanding.
"""

import jax, jax.numpy as jnp
import numpy as np

K_NEIGHBORS = 8
DIST_XYZ_FREQ = 5
NUM_FEAT_FREQS = 3
DIST_XYZ_DENO = 1.0
VSIZE = np.array([0.004, 0.004, 0.004], dtype=np.float32)


def positional_encoding(positions, freqs):
    # PointNeRF-style PE: [sin(2^i * x), cos(2^i * x)]
    freq_bands = 2.0 ** jnp.arange(freqs, dtype=positions.dtype)
    pts = (positions[..., None] * freq_bands).reshape(positions.shape[:-1] + (freqs * positions.shape[-1],))
    return jnp.concatenate([jnp.sin(pts), jnp.cos(pts)], axis=-1)


def w2pers(point_xyz, camrotc2w, campos):
    # point_xyz: [N, 3]; camrotc2w: [1, 3, 3]; campos: [1, 3]
    point_xyz_shift = point_xyz[None, ...] - campos[:, None, :]
    xyz = jnp.sum(camrotc2w[:, None, :, :] * point_xyz_shift[:, :, :, None], axis=-2)
    xper = xyz[:, :, 0] / xyz[:, :, 2]
    yper = xyz[:, :, 1] / xyz[:, :, 2]
    return jnp.stack([xper, yper, xyz[:, :, 2]], axis=-1)


def setup_inputs(seed: int = 0) -> dict:
    key = jax.random.key(seed)
    k1, k2, k3, k4 = jax.random.split(key, 4)
    Q, P, F = 4096, 65536, 32
    query_points = jax.random.uniform(k1, (Q, 3), dtype=jnp.float32)
    neural_xyz = jax.random.uniform(k2, (P, 3), dtype=jnp.float32)
    points_embedding = jax.random.normal(k3, (P, F), dtype=jnp.float32) * 0.1
    camrotc2w = jnp.eye(3, dtype=jnp.float32)[None, ...]
    # camera placed behind the unit cube so per-point depth z stays well away from 0
    campos = jnp.array([[0.5, 0.5, -3.0]], dtype=jnp.float32)
    sampled_Rw2c = jnp.eye(3, dtype=jnp.float32)
    return {
        'query_points': query_points,
        'neural_xyz': neural_xyz,
        'points_embedding': points_embedding,
        'camrotc2w': camrotc2w,
        'campos': campos,
        'sampled_Rw2c': sampled_Rw2c,
    }


def reference(query_points, neural_xyz, points_embedding, camrotc2w, campos, sampled_Rw2c):
    Q = query_points.shape[0]
    # ---- brute-force kNN: assign_index = knn(neural_xyz, query_points, 8)[1] ----
    q_sq = jnp.sum(query_points * query_points, axis=-1, keepdims=True)          # [Q, 1]
    p_sq = jnp.sum(neural_xyz * neural_xyz, axis=-1)                              # [P]
    d2 = q_sq + p_sq[None, :] - 2.0 * (query_points @ neural_xyz.T)               # [Q, P]
    _, assign_index = jax.lax.top_k(-d2, K_NEIGHBORS)                             # [Q, 8]
    # ---- gather neighbor positions and features ----
    ref_xyz = jnp.take(neural_xyz, assign_index, axis=0)                          # [Q, 8, 3]
    ref_fea = jnp.take(points_embedding, assign_index, axis=0)                    # [Q, 8, F]
    # ---- perspective-space distances ----
    query_points_local = w2pers(query_points, camrotc2w, campos)                  # [1, Q, 3]
    ref_xyz_pers = w2pers(ref_xyz.reshape(-1, 3), camrotc2w, campos).reshape(1, Q, K_NEIGHBORS, 3)
    xdist = ref_xyz_pers[..., 0] * ref_xyz_pers[..., 2] - query_points_local[:, :, None, 0] * query_points_local[:, :, None, 2]
    ydist = ref_xyz_pers[..., 1] * ref_xyz_pers[..., 2] - query_points_local[:, :, None, 1] * query_points_local[:, :, None, 2]
    zdist = ref_xyz_pers[..., 2] - query_points_local[:, :, None, 2]
    dists = jnp.stack([xdist, ydist, zdist], axis=-1)                             # [1, Q, 8, 3]
    dists = jnp.concatenate([ref_xyz[None, ...] - query_points[None, :, None, :], dists], axis=-1)  # [1, Q, 8, 6]
    dists_flat = dists.reshape(-1, dists.shape[-1])
    deno = DIST_XYZ_DENO * float(np.linalg.norm(VSIZE))
    dists_flat = dists_flat / deno
    # uni_w2c branch: sampled_Rw2c.dim() == 2
    dists_flat = dists_flat.at[:, :3].set(dists_flat[:, :3] @ sampled_Rw2c)
    dists_flat = positional_encoding(dists_flat, DIST_XYZ_FREQ)                   # [Q*8, 60]
    ref_fea = jnp.concatenate([ref_fea, positional_encoding(ref_fea, NUM_FEAT_FREQS)], axis=-1)  # [Q, 8, 224]
    agg_in = jnp.concatenate([ref_fea, dists_flat.reshape(Q, K_NEIGHBORS, dists_flat.shape[-1])], axis=-1)  # [Q, 8, 284]
    return agg_in

if __name__ == "__main__":
    import jax
    _d = setup_inputs()
    print(jax.jit(kernel)(*tuple(_d.values())))

</pallas_src>

<mosaic_0001>
#map = affine_map<(d0, d1) -> (0, 0)>
#map1 = affine_map<(d0, d1) -> (0)>
module attributes {stable_mosaic.version = 14 : i64} {
  func.func @gk(%arg0: i32, %arg1: i32, %arg2: memref<65536x128xf32, #tpu.memory_space<hbm>>, %arg3: memref<32768xi32, #tpu.memory_space<hbm>>, %arg4: memref<32768x128xf32, #tpu.memory_space<hbm>>, %arg5: memref<128xi32, #tpu.memory_space<vmem>>, %arg6: memref<128x128xf32, #tpu.memory_space<vmem>>, %arg7: memref<!tpu.dma_semaphore, #tpu.memory_space<semaphore_mem>>) attributes {dimension_semantics = [#tpu.dimension_semantics<core_parallel>, #tpu.dimension_semantics<subcore_parallel>], iteration_bounds = array<i64: 2, 16>, scalar_prefetch = 0 : i64, scratch_operands = 3 : i64, tpu.core_type = #tpu.core_type<sc_vector_subcore>, window_params = [{transform_indices = #map}, {transform_indices = #map1}, {transform_indices = #map}]} {
    %mul3A = arith.constant 2 : i32
    %mul3A_0 = arith.muli %arg1, %mul3A : i32
    %add3A = arith.addi %mul3A_0, %arg0 : i32
    %mul3A_1 = arith.constant 1024 : i32
    %mul3A_2 = arith.muli %add3A, %mul3A_1 : i32
    %add3A_3 = arith.constant 0 : i32
    %add3A_4 = arith.addi %mul3A_2, %add3A_3 : i32
    "tpu.region"() ({
      %run_scoped3A = tpu.sem_alloc : memref<!tpu.dma_semaphore, #tpu.memory_space<semaphore_mem>>
      %dma_start3A_79 = tpu.memref_slice %arg3[%add3A_4] : memref<32768xi32, #tpu.memory_space<hbm>> -> memref<128xi32, #tpu.memory_space<hbm>>
      %dma_start3A_80 = tpu.memref_slice %arg3[%add3A_4] : memref<32768xi32, #tpu.memory_space<hbm>> -> memref<128xi32, #tpu.memory_space<hbm>>
      tpu.enqueue_dma source(%dma_start3A_80 : memref<128xi32, #tpu.memory_space<hbm>>) target(%arg5 : memref<128xi32, #tpu.memory_space<vmem>>) target_semaphore(%run_scoped3A : memref<!tpu.dma_semaphore, #tpu.memory_space<semaphore_mem>>)
      %dma_wait3A_81 = tpu.memref_slice %arg3[%add3A_4] : memref<32768xi32, #tpu.memory_space<hbm>> -> memref<128xi32, #tpu.memory_space<hbm>>
      %dma_wait3A_82 = tpu.memref_slice %arg3[%add3A_4] : memref<32768xi32, #tpu.memory_space<hbm>> -> memref<128xi32, #tpu.memory_space<hbm>>
      tpu.wait_dma2 semaphore(%run_scoped3A : memref<!tpu.dma_semaphore, #tpu.memory_space<semaphore_mem>>) src(%dma_wait3A_82 : memref<128xi32, #tpu.memory_space<hbm>>) dst(%arg5 : memref<128xi32, #tpu.memory_space<vmem>>)
      tpu.yield
    }) : () -> ()
    %dma_start3A = arith.constant 0 : i32
    %dma_start3A_5 = arith.constant 0 : i32
    %dma_start3A_6 = tpu.memref_slice %arg2[%dma_start3A, %dma_start3A_5] : memref<65536x128xf32, #tpu.memory_space<hbm>> -> memref<65536x128xf32, #tpu.memory_space<hbm>>
    tpu.enqueue_indirect_dma source(%dma_start3A_6 : memref<65536x128xf32, #tpu.memory_space<hbm>>) target(%arg6 : memref<128x128xf32, #tpu.memory_space<vmem>>) offsets(%arg5 : memref<128xi32, #tpu.memory_space<vmem>>) semaphore(%arg7 : memref<!tpu.dma_semaphore, #tpu.memory_space<semaphore_mem>>)
    %dma_wait3A = arith.constant 0 : i32
    %dma_wait3A_7 = arith.constant 0 : i32
    %dma_wait3A_8 = tpu.memref_slice %arg2[%dma_wait3A, %dma_wait3A_7] : memref<65536x128xf32, #tpu.memory_space<hbm>> -> memref<65536x128xf32, #tpu.memory_space<hbm>>
    tpu.wait_indirect_dma semaphore(%arg7 : memref<!tpu.dma_semaphore, #tpu.memory_space<semaphore_mem>>) src(%dma_wait3A_8 : memref<65536x128xf32, #tpu.memory_space<hbm>>) dst(%arg6 : memref<128x128xf32, #tpu.memory_space<vmem>>)
    "tpu.region"() ({
      %run_scoped3A = tpu.sem_alloc : memref<!tpu.dma_semaphore, #tpu.memory_space<semaphore_mem>>
      %dma_start3A_79 = arith.constant 0 : i32
      %dma_start3A_80 = tpu.memref_slice %arg4[%add3A_4, %dma_start3A_79] : memref<32768x128xf32, #tpu.memory_space<hbm>> -> memref<128x128xf32, #tpu.memory_space<hbm>>
      %dma_start3A_81 = arith.constant 0 : i32
      %dma_start3A_82 = tpu.memref_slice %arg4[%add3A_4, %dma_start3A_81] : memref<32768x128xf32, #tpu.memory_space<hbm>> -> memref<128x128xf32, #tpu.memory_space<hbm>>
      tpu.enqueue_dma source(%arg6 : memref<128x128xf32, #tpu.memory_space<vmem>>) target(%dma_start3A_82 : memref<128x128xf32, #tpu.memory_space<hbm>>) target_semaphore(%run_scoped3A : memref<!tpu.dma_semaphore, #tpu.memory_space<semaphore_mem>>)
      %dma_wait3A_83 = arith.constant 0 : i32
      %dma_wait3A_84 = tpu.memref_slice %arg4[%add3A_4, %dma_wait3A_83] : memref<32768x128xf32, #tpu.memory_space<hbm>> -> memref<128x128xf32, #tpu.memory_space<hbm>>
      %dma_wait3A_85 = arith.constant 0 : i32
      %dma_wait3A_86 = tpu.memref_slice %arg4[%add3A_4, %dma_wait3A_85] : memref<32768x128xf32, #tpu.memory_space<hbm>> -> memref<128x128xf32, #tpu.memory_space<hbm>>
      tpu.wait_dma2 semaphore(%run_scoped3A : memref<!tpu.dma_semaphore, #tpu.memory_space<semaphore_mem>>) src(%arg6 : memref<128x128xf32, #tpu.memory_space<vmem>>) dst(%dma_wait3A_86 : memref<128x128xf32, #tpu.memory_space<hbm>>)
      tpu.yield
    }) : () -> ()
    %mul3A_9 = arith.constant 1024 : i32
    %mul3A_10 = arith.muli %add3A, %mul3A_9 : i32
    %add3A_11 = arith.constant 128 : i32
    %add3A_12 = arith.addi %mul3A_10, %add3A_11 : i32
    "tpu.region"() ({
      %run_scoped3A = tpu.sem_alloc : memref<!tpu.dma_semaphore, #tpu.memory_space<semaphore_mem>>
      %dma_start3A_79 = tpu.memref_slice %arg3[%add3A_12] : memref<32768xi32, #tpu.memory_space<hbm>> -> memref<128xi32, #tpu.memory_space<hbm>>
      %dma_start3A_80 = tpu.memref_slice %arg3[%add3A_12] : memref<32768xi32, #tpu.memory_space<hbm>> -> memref<128xi32, #tpu.memory_space<hbm>>
      tpu.enqueue_dma source(%dma_start3A_80 : memref<128xi32, #tpu.memory_space<hbm>>) target(%arg5 : memref<128xi32, #tpu.memory_space<vmem>>) target_semaphore(%run_scoped3A : memref<!tpu.dma_semaphore, #tpu.memory_space<semaphore_mem>>)
      %dma_wait3A_81 = tpu.memref_slice %arg3[%add3A_12] : memref<32768xi32, #tpu.memory_space<hbm>> -> memref<128xi32, #tpu.memory_space<hbm>>
      %dma_wait3A_82 = tpu.memref_slice %arg3[%add3A_12] : memref<32768xi32, #tpu.memory_space<hbm>> -> memref<128xi32, #tpu.memory_space<hbm>>
      tpu.wait_dma2 semaphore(%run_scoped3A : memref<!tpu.dma_semaphore, #tpu.memory_space<semaphore_mem>>) src(%dma_wait3A_82 : memref<128xi32, #tpu.memory_space<hbm>>) dst(%arg5 : memref<128xi32, #tpu.memory_space<vmem>>)
      tpu.yield
    }) : () -> ()
    %dma_start3A_13 = arith.constant 0 : i32
    %dma_start3A_14 = arith.constant 0 : i32
    %dma_start3A_15 = tpu.memref_slice %arg2[%dma_start3A_13, %dma_start3A_14] : memref<65536x128xf32, #tpu.memory_space<hbm>> -> memref<65536x128xf32, #tpu.memory_space<hbm>>
    tpu.enqueue_indirect_dma source(%dma_start3A_15 : memref<65536x128xf32, #tpu.memory_space<hbm>>) target(%arg6 : memref<128x128xf32, #tpu.memory_space<vmem>>) offsets(%arg5 : memref<128xi32, #tpu.memory_space<vmem>>) semaphore(%arg7 : memref<!tpu.dma_semaphore, #tpu.memory_space<semaphore_mem>>)
    %dma_wait3A_16 = arith.constant 0 : i32
    %dma_wait3A_17 = arith.constant 0 : i32
    %dma_wait3A_18 = tpu.memref_slice %arg2[%dma_wait3A_16, %dma_wait3A_17] : memref<65536x128xf32, #tpu.memory_space<hbm>> -> memref<65536x128xf32, #tpu.memory_space<hbm>>
    tpu.wait_indirect_dma semaphore(%arg7 : memref<!tpu.dma_semaphore, #tpu.memory_space<semaphore_mem>>) src(%dma_wait3A_18 : memref<65536x128xf32, #tpu.memory_space<hbm>>) dst(%arg6 : memref<128x128xf32, #tpu.memory_space<vmem>>)
    "tpu.region"() ({
      %run_scoped3A = tpu.sem_alloc : memref<!tpu.dma_semaphore, #tpu.memory_space<semaphore_mem>>
      %dma_start3A_79 = arith.constant 0 : i32
      %dma_start3A_80 = tpu.memref_slice %arg4[%add3A_12, %dma_start3A_79] : memref<32768x128xf32, #tpu.memory_space<hbm>> -> memref<128x128xf32, #tpu.memory_space<hbm>>
      %dma_start3A_81 = arith.constant 0 : i32
      %dma_start3A_82 = tpu.memref_slice %arg4[%add3A_12, %dma_start3A_81] : memref<32768x128xf32, #tpu.memory_space<hbm>> -> memref<128x128xf32, #tpu.memory_space<hbm>>
      tpu.enqueue_dma source(%arg6 : memref<128x128xf32, #tpu.memory_space<vmem>>) target(%dma_start3A_82 : memref<128x128xf32, #tpu.memory_space<hbm>>) target_semaphore(%run_scoped3A : memref<!tpu.dma_semaphore, #tpu.memory_space<semaphore_mem>>)
      %dma_wait3A_83 = arith.constant 0 : i32
      %dma_wait3A_84 = tpu.memref_slice %arg4[%add3A_12, %dma_wait3A_83] : memref<32768x128xf32, #tpu.memory_space<hbm>> -> memref<128x128xf32, #tpu.memory_space<hbm>>
      %dma_wait3A_85 = arith.constant 0 : i32
      %dma_wait3A_86 = tpu.memref_slice %arg4[%add3A_12, %dma_wait3A_85] : memref<32768x128xf32, #tpu.memory_space<hbm>> -> memref<128x128xf32, #tpu.memory_space<hbm>>
      tpu.wait_dma2 semaphore(%run_scoped3A : memref<!tpu.dma_semaphore, #tpu.memory_space<semaphore_mem>>) src(%arg6 : memref<128x128xf32, #tpu.memory_space<vmem>>) dst(%dma_wait3A_86 : memref<128x128xf32, #tpu.memory_space<hbm>>)
      tpu.yield
    }) : () -> ()
    %mul3A_19 = arith.constant 1024 : i32
    %mul3A_20 = arith.muli %add3A, %mul3A_19 : i32
    %add3A_21 = arith.constant 256 : i32
    %add3A_22 = arith.addi %mul3A_20, %add3A_21 : i32
    "tpu.region"() ({
      %run_scoped3A = tpu.sem_alloc : memref<!tpu.dma_semaphore, #tpu.memory_space<semaphore_mem>>
      %dma_start3A_79 = tpu.memref_slice %arg3[%add3A_22] : memref<32768xi32, #tpu.memory_space<hbm>> -> memref<128xi32, #tpu.memory_space<hbm>>
      %dma_start3A_80 = tpu.memref_slice %arg3[%add3A_22] : memref<32768xi32, #tpu.memory_space<hbm>> -> memref<128xi32, #tpu.memory_space<hbm>>
      tpu.enqueue_dma source(%dma_start3A_80 : memref<128xi32, #tpu.memory_space<hbm>>) target(%arg5 : memref<128xi32, #tpu.memory_space<vmem>>) target_semaphore(%run_scoped3A : memref<!tpu.dma_semaphore, #tpu.memory_space<semaphore_mem>>)
      %dma_wait3A_81 = tpu.memref_slice %arg3[%add3A_22] : memref<32768xi32, #tpu.memory_space<hbm>> -> memref<128xi32, #tpu.memory_space<hbm>>
      %dma_wait3A_82 = tpu.memref_slice %arg3[%add3A_22] : memref<32768xi32, #tpu.memory_space<hbm>> -> memref<128xi32, #tpu.memory_space<hbm>>
      tpu.wait_dma2 semaphore(%run_scoped3A : memref<!tpu.dma_semaphore, #tpu.memory_space<semaphore_mem>>) src(%dma_wait3A_82 : memref<128xi32, #tpu.memory_space<hbm>>) dst(%arg5 : memref<128xi32, #tpu.memory_space<vmem>>)
      tpu.yield
    }) : () -> ()
    %dma_start3A_23 = arith.constant 0 : i32
    %dma_start3A_24 = arith.constant 0 : i32
    %dma_start3A_25 = tpu.memref_slice %arg2[%dma_start3A_23, %dma_start3A_24] : memref<65536x128xf32, #tpu.memory_space<hbm>> -> memref<65536x128xf32, #tpu.memory_space<hbm>>
    tpu.enqueue_indirect_dma source(%dma_start3A_25 : memref<65536x128xf32, #tpu.memory_space<hbm>>) target(%arg6 : memref<128x128xf32, #tpu.memory_space<vmem>>) offsets(%arg5 : memref<128xi32, #tpu.memory_space<vmem>>) semaphore(%arg7 : memref<!tpu.dma_semaphore, #tpu.memory_space<semaphore_mem>>)
    %dma_wait3A_26 = arith.constant 0 : i32
    %dma_wait3A_27 = arith.constant 0 : i32
    %dma_wait3A_28 = tpu.memref_slice %arg2[%dma_wait3A_26, %dma_wait3A_27] : memref<65536x128xf32, #tpu.memory_space<hbm>> -> memref<65536x128xf32, #tpu.memory_space<hbm>>
    tpu.wait_indirect_dma semaphore(%arg7 : memref<!tpu.dma_semaphore, #tpu.memory_space<semaphore_mem>>) src(%dma_wait3A_28 : memref<65536x128xf32, #tpu.memory_space<hbm>>) dst(%arg6 : memref<128x128xf32, #tpu.memory_space<vmem>>)
    "tpu.region"() ({
      %run_scoped3A = tpu.sem_alloc : memref<!tpu.dma_semaphore, #tpu.memory_space<semaphore_mem>>
      %dma_start3A_79 = arith.constant 0 : i32
      %dma_start3A_80 = tpu.memref_slice %arg4[%add3A_22, %dma_start3A_79] : memref<32768x128xf32, #tpu.memory_space<hbm>> -> memref<128x128xf32, #tpu.memory_space<hbm>>
      %dma_start3A_81 = arith.constant 0 : i32
      %dma_start3A_82 = tpu.memref_slice %arg4[%add3A_22, %dma_start3A_81] : memref<32768x128xf32, #tpu.memory_space<hbm>> -> memref<128x128xf32, #tpu.memory_space<hbm>>
      tpu.enqueue_dma source(%arg6 : memref<128x128xf32, #tpu.memory_space<vmem>>) target(%dma_start3A_82 : memref<128x128xf32, #tpu.memory_space<hbm>>) target_semaphore(%run_scoped3A : memref<!tpu.dma_semaphore, #tpu.memory_space<semaphore_mem>>)
      %dma_wait3A_83 = arith.constant 0 : i32
      %dma_wait3A_84 = tpu.memref_slice %arg4[%add3A_22, %dma_wait3A_83] : memref<32768x128xf32, #tpu.memory_space<hbm>> -> memref<128x128xf32, #tpu.memory_space<hbm>>
      %dma_wait3A_85 = arith.constant 0 : i32
      %dma_wait3A_86 = tpu.memref_slice %arg4[%add3A_22, %dma_wait3A_85] : memref<32768x128xf32, #tpu.memory_space<hbm>> -> memref<128x128xf32, #tpu.memory_space<hbm>>
      tpu.wait_dma2 semaphore(%run_scoped3A : memref<!tpu.dma_semaphore, #tpu.memory_space<semaphore_mem>>) src(%arg6 : memref<128x128xf32, #tpu.memory_space<vmem>>) dst(%dma_wait3A_86 : memref<128x128xf32, #tpu.memory_space<hbm>>)
      tpu.yield
    }) : () -> ()
    %mul3A_29 = arith.constant 1024 : i32
    %mul3A_30 = arith.muli %add3A, %mul3A_29 : i32
    %add3A_31 = arith.constant 384 : i32
    %add3A_32 = arith.addi %mul3A_30, %add3A_31 : i32
    "tpu.region"() ({
      %run_scoped3A = tpu.sem_alloc : memref<!tpu.dma_semaphore, #tpu.memory_space<semaphore_mem>>
      %dma_start3A_79 = tpu.memref_slice %arg3[%add3A_32] : memref<32768xi32, #tpu.memory_space<hbm>> -> memref<128xi32, #tpu.memory_space<hbm>>
      %dma_start3A_80 = tpu.memref_slice %arg3[%add3A_32] : memref<32768xi32, #tpu.memory_space<hbm>> -> memref<128xi32, #tpu.memory_space<hbm>>
      tpu.enqueue_dma source(%dma_start3A_80 : memref<128xi32, #tpu.memory_space<hbm>>) target(%arg5 : memref<128xi32, #tpu.memory_space<vmem>>) target_semaphore(%run_scoped3A : memref<!tpu.dma_semaphore, #tpu.memory_space<semaphore_mem>>)
      %dma_wait3A_81 = tpu.memref_slice %arg3[%add3A_32] : memref<32768xi32, #tpu.memory_space<hbm>> -> memref<128xi32, #tpu.memory_space<hbm>>
      %dma_wait3A_82 = tpu.memref_slice %arg3[%add3A_32] : memref<32768xi32, #tpu.memory_space<hbm>> -> memref<128xi32, #tpu.memory_space<hbm>>
      tpu.wait_dma2 semaphore(%run_scoped3A : memref<!tpu.dma_semaphore, #tpu.memory_space<semaphore_mem>>) src(%dma_wait3A_82 : memref<128xi32, #tpu.memory_space<hbm>>) dst(%arg5 : memref<128xi32, #tpu.memory_space<vmem>>)
      tpu.yield
    }) : () -> ()
    %dma_start3A_33 = arith.constant 0 : i32
    %dma_start3A_34 = arith.constant 0 : i32
    %dma_start3A_35 = tpu.memref_slice %arg2[%dma_start3A_33, %dma_start3A_34] : memref<65536x128xf32, #tpu.memory_space<hbm>> -> memref<65536x128xf32, #tpu.memory_space<hbm>>
    tpu.enqueue_indirect_dma source(%dma_start3A_35 : memref<65536x128xf32, #tpu.memory_space<hbm>>) target(%arg6 : memref<128x128xf32, #tpu.memory_space<vmem>>) offsets(%arg5 : memref<128xi32, #tpu.memory_space<vmem>>) semaphore(%arg7 : memref<!tpu.dma_semaphore, #tpu.memory_space<semaphore_mem>>)
    %dma_wait3A_36 = arith.constant 0 : i32
    %dma_wait3A_37 = arith.constant 0 : i32
    %dma_wait3A_38 = tpu.memref_slice %arg2[%dma_wait3A_36, %dma_wait3A_37] : memref<65536x128xf32, #tpu.memory_space<hbm>> -> memref<65536x128xf32, #tpu.memory_space<hbm>>
    tpu.wait_indirect_dma semaphore(%arg7 : memref<!tpu.dma_semaphore, #tpu.memory_space<semaphore_mem>>) src(%dma_wait3A_38 : memref<65536x128xf32, #tpu.memory_space<hbm>>) dst(%arg6 : memref<128x128xf32, #tpu.memory_space<vmem>>)
    "tpu.region"() ({
      %run_scoped3A = tpu.sem_alloc : memref<!tpu.dma_semaphore, #tpu.memory_space<semaphore_mem>>
      %dma_start3A_79 = arith.constant 0 : i32
      %dma_start3A_80 = tpu.memref_slice %arg4[%add3A_32, %dma_start3A_79] : memref<32768x128xf32, #tpu.memory_space<hbm>> -> memref<128x128xf32, #tpu.memory_space<hbm>>
      %dma_start3A_81 = arith.constant 0 : i32
      %dma_start3A_82 = tpu.memref_slice %arg4[%add3A_32, %dma_start3A_81] : memref<32768x128xf32, #tpu.memory_space<hbm>> -> memref<128x128xf32, #tpu.memory_space<hbm>>
      tpu.enqueue_dma source(%arg6 : memref<128x128xf32, #tpu.memory_space<vmem>>) target(%dma_start3A_82 : memref<128x128xf32, #tpu.memory_space<hbm>>) target_semaphore(%run_scoped3A : memref<!tpu.dma_semaphore, #tpu.memory_space<semaphore_mem>>)
      %dma_wait3A_83 = arith.constant 0 : i32
      %dma_wait3A_84 = tpu.memref_slice %arg4[%add3A_32, %dma_wait3A_83] : memref<32768x128xf32, #tpu.memory_space<hbm>> -> memref<128x128xf32, #tpu.memory_space<hbm>>
      %dma_wait3A_85 = arith.constant 0 : i32
      %dma_wait3A_86 = tpu.memref_slice %arg4[%add3A_32, %dma_wait3A_85] : memref<32768x128xf32, #tpu.memory_space<hbm>> -> memref<128x128xf32, #tpu.memory_space<hbm>>
      tpu.wait_dma2 semaphore(%run_scoped3A : memref<!tpu.dma_semaphore, #tpu.memory_space<semaphore_mem>>) src(%arg6 : memref<128x128xf32, #tpu.memory_space<vmem>>) dst(%dma_wait3A_86 : memref<128x128xf32, #tpu.memory_space<hbm>>)
      tpu.yield
    }) : () -> ()
    %mul3A_39 = arith.constant 1024 : i32
    %mul3A_40 = arith.muli %add3A, %mul3A_39 : i32
    %add3A_41 = arith.constant 512 : i32
    %add3A_42 = arith.addi %mul3A_40, %add3A_41 : i32
    "tpu.region"() ({
      %run_scoped3A = tpu.sem_alloc : memref<!tpu.dma_semaphore, #tpu.memory_space<semaphore_mem>>
      %dma_start3A_79 = tpu.memref_slice %arg3[%add3A_42] : memref<32768xi32, #tpu.memory_space<hbm>> -> memref<128xi32, #tpu.memory_space<hbm>>
      %dma_start3A_80 = tpu.memref_slice %arg3[%add3A_42] : memref<32768xi32, #tpu.memory_space<hbm>> -> memref<128xi32, #tpu.memory_space<hbm>>
      tpu.enqueue_dma source(%dma_start3A_80 : memref<128xi32, #tpu.memory_space<hbm>>) target(%arg5 : memref<128xi32, #tpu.memory_space<vmem>>) target_semaphore(%run_scoped3A : memref<!tpu.dma_semaphore, #tpu.memory_space<semaphore_mem>>)
      %dma_wait3A_81 = tpu.memref_slice %arg3[%add3A_42] : memref<32768xi32, #tpu.memory_space<hbm>> -> memref<128xi32, #tpu.memory_space<hbm>>
      %dma_wait3A_82 = tpu.memref_slice %arg3[%add3A_42] : memref<32768xi32, #tpu.memory_space<hbm>> -> memref<128xi32, #tpu.memory_space<hbm>>
      tpu.wait_dma2 semaphore(%run_scoped3A : memref<!tpu.dma_semaphore, #tpu.memory_space<semaphore_mem>>) src(%dma_wait3A_82 : memref<128xi32, #tpu.memory_space<hbm>>) dst(%arg5 : memref<128xi32, #tpu.memory_space<vmem>>)
      tpu.yield
    }) : () -> ()
    %dma_start3A_43 = arith.constant 0 : i32
    %dma_start3A_44 = arith.constant 0 : i32
    %dma_start3A_45 = tpu.memref_slice %arg2[%dma_start3A_43, %dma_start3A_44] : memref<65536x128xf32, #tpu.memory_space<hbm>> -> memref<65536x128xf32, #tpu.memory_space<hbm>>
    tpu.enqueue_indirect_dma source(%dma_start3A_45 : memref<65536x128xf32, #tpu.memory_space<hbm>>) target(%arg6 : memref<128x128xf32, #tpu.memory_space<vmem>>) offsets(%arg5 : memref<128xi32, #tpu.memory_space<vmem>>) semaphore(%arg7 : memref<!tpu.dma_semaphore, #tpu.memory_space<semaphore_mem>>)
    %dma_wait3A_46 = arith.constant 0 : i32
    %dma_wait3A_47 = arith.constant 0 : i32
    %dma_wait3A_48 = tpu.memref_slice %arg2[%dma_wait3A_46, %dma_wait3A_47] : memref<65536x128xf32, #tpu.memory_space<hbm>> -> memref<65536x128xf32, #tpu.memory_space<hbm>>
    tpu.wait_indirect_dma semaphore(%arg7 : memref<!tpu.dma_semaphore, #tpu.memory_space<semaphore_mem>>) src(%dma_wait3A_48 : memref<65536x128xf32, #tpu.memory_space<hbm>>) dst(%arg6 : memref<128x128xf32, #tpu.memory_space<vmem>>)
    "tpu.region"() ({
      %run_scoped3A = tpu.sem_alloc : memref<!tpu.dma_semaphore, #tpu.memory_space<semaphore_mem>>
      %dma_start3A_79 = arith.constant 0 : i32
      %dma_start3A_80 = tpu.memref_slice %arg4[%add3A_42, %dma_start3A_79] : memref<32768x128xf32, #tpu.memory_space<hbm>> -> memref<128x128xf32, #tpu.memory_space<hbm>>
      %dma_start3A_81 = arith.constant 0 : i32
      %dma_start3A_82 = tpu.memref_slice %arg4[%add3A_42, %dma_start3A_81] : memref<32768x128xf32, #tpu.memory_space<hbm>> -> memref<128x128xf32, #tpu.memory_space<hbm>>
      tpu.enqueue_dma source(%arg6 : memref<128x128xf32, #tpu.memory_space<vmem>>) target(%dma_start3A_82 : memref<128x128xf32, #tpu.memory_space<hbm>>) target_semaphore(%run_scoped3A : memref<!tpu.dma_semaphore, #tpu.memory_space<semaphore_mem>>)
      %dma_wait3A_83 = arith.constant 0 : i32
      %dma_wait3A_84 = tpu.memref_slice %arg4[%add3A_42, %dma_wait3A_83] : memref<32768x128xf32, #tpu.memory_space<hbm>> -> memref<128x128xf32, #tpu.memory_space<hbm>>
      %dma_wait3A_85 = arith.constant 0 : i32
      %dma_wait3A_86 = tpu.memref_slice %arg4[%add3A_42, %dma_wait3A_85] : memref<32768x128xf32, #tpu.memory_space<hbm>> -> memref<128x128xf32, #tpu.memory_space<hbm>>
      tpu.wait_dma2 semaphore(%run_scoped3A : memref<!tpu.dma_semaphore, #tpu.memory_space<semaphore_mem>>) src(%arg6 : memref<128x128xf32, #tpu.memory_space<vmem>>) dst(%dma_wait3A_86 : memref<128x128xf32, #tpu.memory_space<hbm>>)
      tpu.yield
    }) : () -> ()
    %mul3A_49 = arith.constant 1024 : i32
    %mul3A_50 = arith.muli %add3A, %mul3A_49 : i32
    %add3A_51 = arith.constant 640 : i32
    %add3A_52 = arith.addi %mul3A_50, %add3A_51 : i32
    "tpu.region"() ({
      %run_scoped3A = tpu.sem_alloc : memref<!tpu.dma_semaphore, #tpu.memory_space<semaphore_mem>>
      %dma_start3A_79 = tpu.memref_slice %arg3[%add3A_52] : memref<32768xi32, #tpu.memory_space<hbm>> -> memref<128xi32, #tpu.memory_space<hbm>>
      %dma_start3A_80 = tpu.memref_slice %arg3[%add3A_52] : memref<32768xi32, #tpu.memory_space<hbm>> -> memref<128xi32, #tpu.memory_space<hbm>>
      tpu.enqueue_dma source(%dma_start3A_80 : memref<128xi32, #tpu.memory_space<hbm>>) target(%arg5 : memref<128xi32, #tpu.memory_space<vmem>>) target_semaphore(%run_scoped3A : memref<!tpu.dma_semaphore, #tpu.memory_space<semaphore_mem>>)
      %dma_wait3A_81 = tpu.memref_slice %arg3[%add3A_52] : memref<32768xi32, #tpu.memory_space<hbm>> -> memref<128xi32, #tpu.memory_space<hbm>>
      %dma_wait3A_82 = tpu.memref_slice %arg3[%add3A_52] : memref<32768xi32, #tpu.memory_space<hbm>> -> memref<128xi32, #tpu.memory_space<hbm>>
      tpu.wait_dma2 semaphore(%run_scoped3A : memref<!tpu.dma_semaphore, #tpu.memory_space<semaphore_mem>>) src(%dma_wait3A_82 : memref<128xi32, #tpu.memory_space<hbm>>) dst(%arg5 : memref<128xi32, #tpu.memory_space<vmem>>)
      tpu.yield
    }) : () -> ()
    %dma_start3A_53 = arith.constant 0 : i32
    %dma_start3A_54 = arith.constant 0 : i32
    %dma_start3A_55 = tpu.memref_slice %arg2[%dma_start3A_53, %dma_start3A_54] : memref<65536x128xf32, #tpu.memory_space<hbm>> -> memref<65536x128xf32, #tpu.memory_space<hbm>>
    tpu.enqueue_indirect_dma source(%dma_start3A_55 : memref<65536x128xf32, #tpu.memory_space<hbm>>) target(%arg6 : memref<128x128xf32, #tpu.memory_space<vmem>>) offsets(%arg5 : memref<128xi32, #tpu.memory_space<vmem>>) semaphore(%arg7 : memref<!tpu.dma_semaphore, #tpu.memory_space<semaphore_mem>>)
    %dma_wait3A_56 = arith.constant 0 : i32
    %dma_wait3A_57 = arith.constant 0 : i32
    %dma_wait3A_58 = tpu.memref_slice %arg2[%dma_wait3A_56, %dma_wait3A_57] : memref<65536x128xf32, #tpu.memory_space<hbm>> -> memref<65536x128xf32, #tpu.memory_space<hbm>>
    tpu.wait_indirect_dma semaphore(%arg7 : memref<!tpu.dma_semaphore, #tpu.memory_space<semaphore_mem>>) src(%dma_wait3A_58 : memref<65536x128xf32, #tpu.memory_space<hbm>>) dst(%arg6 : memref<128x128xf32, #tpu.memory_space<vmem>>)
    "tpu.region"() ({
      %run_scoped3A = tpu.sem_alloc : memref<!tpu.dma_semaphore, #tpu.memory_space<semaphore_mem>>
      %dma_start3A_79 = arith.constant 0 : i32
      %dma_start3A_80 = tpu.memref_slice %arg4[%add3A_52, %dma_start3A_79] : memref<32768x128xf32, #tpu.memory_space<hbm>> -> memref<128x128xf32, #tpu.memory_space<hbm>>
      %dma_start3A_81 = arith.constant 0 : i32
      %dma_start3A_82 = tpu.memref_slice %arg4[%add3A_52, %dma_start3A_81] : memref<32768x128xf32, #tpu.memory_space<hbm>> -> memref<128x128xf32, #tpu.memory_space<hbm>>
      tpu.enqueue_dma source(%arg6 : memref<128x128xf32, #tpu.memory_space<vmem>>) target(%dma_start3A_82 : memref<128x128xf32, #tpu.memory_space<hbm>>) target_semaphore(%run_scoped3A : memref<!tpu.dma_semaphore, #tpu.memory_space<semaphore_mem>>)
      %dma_wait3A_83 = arith.constant 0 : i32
      %dma_wait3A_84 = tpu.memref_slice %arg4[%add3A_52, %dma_wait3A_83] : memref<32768x128xf32, #tpu.memory_space<hbm>> -> memref<128x128xf32, #tpu.memory_space<hbm>>
      %dma_wait3A_85 = arith.constant 0 : i32
      %dma_wait3A_86 = tpu.memref_slice %arg4[%add3A_52, %dma_wait3A_85] : memref<32768x128xf32, #tpu.memory_space<hbm>> -> memref<128x128xf32, #tpu.memory_space<hbm>>
      tpu.wait_dma2 semaphore(%run_scoped3A : memref<!tpu.dma_semaphore, #tpu.memory_space<semaphore_mem>>) src(%arg6 : memref<128x128xf32, #tpu.memory_space<vmem>>) dst(%dma_wait3A_86 : memref<128x128xf32, #tpu.memory_space<hbm>>)
      tpu.yield
    }) : () -> ()
    %mul3A_59 = arith.constant 1024 : i32
    %mul3A_60 = arith.muli %add3A, %mul3A_59 : i32
    %add3A_61 = arith.constant 768 : i32
    %add3A_62 = arith.addi %mul3A_60, %add3A_61 : i32
    "tpu.region"() ({
      %run_scoped3A = tpu.sem_alloc : memref<!tpu.dma_semaphore, #tpu.memory_space<semaphore_mem>>
      %dma_start3A_79 = tpu.memref_slice %arg3[%add3A_62] : memref<32768xi32, #tpu.memory_space<hbm>> -> memref<128xi32, #tpu.memory_space<hbm>>
      %dma_start3A_80 = tpu.memref_slice %arg3[%add3A_62] : memref<32768xi32, #tpu.memory_space<hbm>> -> memref<128xi32, #tpu.memory_space<hbm>>
      tpu.enqueue_dma source(%dma_start3A_80 : memref<128xi32, #tpu.memory_space<hbm>>) target(%arg5 : memref<128xi32, #tpu.memory_space<vmem>>) target_semaphore(%run_scoped3A : memref<!tpu.dma_semaphore, #tpu.memory_space<semaphore_mem>>)
      %dma_wait3A_81 = tpu.memref_slice %arg3[%add3A_62] : memref<32768xi32, #tpu.memory_space<hbm>> -> memref<128xi32, #tpu.memory_space<hbm>>
      %dma_wait3A_82 = tpu.memref_slice %arg3[%add3A_62] : memref<32768xi32, #tpu.memory_space<hbm>> -> memref<128xi32, #tpu.memory_space<hbm>>
      tpu.wait_dma2 semaphore(%run_scoped3A : memref<!tpu.dma_semaphore, #tpu.memory_space<semaphore_mem>>) src(%dma_wait3A_82 : memref<128xi32, #tpu.memory_space<hbm>>) dst(%arg5 : memref<128xi32, #tpu.memory_space<vmem>>)
      tpu.yield
    }) : () -> ()
    %dma_start3A_63 = arith.constant 0 : i32
    %dma_start3A_64 = arith.constant 0 : i32
    %dma_start3A_65 = tpu.memref_slice %arg2[%dma_start3A_63, %dma_start3A_64] : memref<65536x128xf32, #tpu.memory_space<hbm>> -> memref<65536x128xf32, #tpu.memory_space<hbm>>
    tpu.enqueue_indirect_dma source(%dma_start3A_65 : memref<65536x128xf32, #tpu.memory_space<hbm>>) target(%arg6 : memref<128x128xf32, #tpu.memory_space<vmem>>) offsets(%arg5 : memref<128xi32, #tpu.memory_space<vmem>>) semaphore(%arg7 : memref<!tpu.dma_semaphore, #tpu.memory_space<semaphore_mem>>)
    %dma_wait3A_66 = arith.constant 0 : i32
    %dma_wait3A_67 = arith.constant 0 : i32
    %dma_wait3A_68 = tpu.memref_slice %arg2[%dma_wait3A_66, %dma_wait3A_67] : memref<65536x128xf32, #tpu.memory_space<hbm>> -> memref<65536x128xf32, #tpu.memory_space<hbm>>
    tpu.wait_indirect_dma semaphore(%arg7 : memref<!tpu.dma_semaphore, #tpu.memory_space<semaphore_mem>>) src(%dma_wait3A_68 : memref<65536x128xf32, #tpu.memory_space<hbm>>) dst(%arg6 : memref<128x128xf32, #tpu.memory_space<vmem>>)
    "tpu.region"() ({
      %run_scoped3A = tpu.sem_alloc : memref<!tpu.dma_semaphore, #tpu.memory_space<semaphore_mem>>
      %dma_start3A_79 = arith.constant 0 : i32
      %dma_start3A_80 = tpu.memref_slice %arg4[%add3A_62, %dma_start3A_79] : memref<32768x128xf32, #tpu.memory_space<hbm>> -> memref<128x128xf32, #tpu.memory_space<hbm>>
      %dma_start3A_81 = arith.constant 0 : i32
      %dma_start3A_82 = tpu.memref_slice %arg4[%add3A_62, %dma_start3A_81] : memref<32768x128xf32, #tpu.memory_space<hbm>> -> memref<128x128xf32, #tpu.memory_space<hbm>>
      tpu.enqueue_dma source(%arg6 : memref<128x128xf32, #tpu.memory_space<vmem>>) target(%dma_start3A_82 : memref<128x128xf32, #tpu.memory_space<hbm>>) target_semaphore(%run_scoped3A : memref<!tpu.dma_semaphore, #tpu.memory_space<semaphore_mem>>)
      %dma_wait3A_83 = arith.constant 0 : i32
      %dma_wait3A_84 = tpu.memref_slice %arg4[%add3A_62, %dma_wait3A_83] : memref<32768x128xf32, #tpu.memory_space<hbm>> -> memref<128x128xf32, #tpu.memory_space<hbm>>
      %dma_wait3A_85 = arith.constant 0 : i32
      %dma_wait3A_86 = tpu.memref_slice %arg4[%add3A_62, %dma_wait3A_85] : memref<32768x128xf32, #tpu.memory_space<hbm>> -> memref<128x128xf32, #tpu.memory_space<hbm>>
      tpu.wait_dma2 semaphore(%run_scoped3A : memref<!tpu.dma_semaphore, #tpu.memory_space<semaphore_mem>>) src(%arg6 : memref<128x128xf32, #tpu.memory_space<vmem>>) dst(%dma_wait3A_86 : memref<128x128xf32, #tpu.memory_space<hbm>>)
      tpu.yield
    }) : () -> ()
    %mul3A_69 = arith.constant 1024 : i32
    %mul3A_70 = arith.muli %add3A, %mul3A_69 : i32
    %add3A_71 = arith.constant 896 : i32
    %add3A_72 = arith.addi %mul3A_70, %add3A_71 : i32
    "tpu.region"() ({
      %run_scoped3A = tpu.sem_alloc : memref<!tpu.dma_semaphore, #tpu.memory_space<semaphore_mem>>
      %dma_start3A_79 = tpu.memref_slice %arg3[%add3A_72] : memref<32768xi32, #tpu.memory_space<hbm>> -> memref<128xi32, #tpu.memory_space<hbm>>
      %dma_start3A_80 = tpu.memref_slice %arg3[%add3A_72] : memref<32768xi32, #tpu.memory_space<hbm>> -> memref<128xi32, #tpu.memory_space<hbm>>
      tpu.enqueue_dma source(%dma_start3A_80 : memref<128xi32, #tpu.memory_space<hbm>>) target(%arg5 : memref<128xi32, #tpu.memory_space<vmem>>) target_semaphore(%run_scoped3A : memref<!tpu.dma_semaphore, #tpu.memory_space<semaphore_mem>>)
      %dma_wait3A_81 = tpu.memref_slice %arg3[%add3A_72] : memref<32768xi32, #tpu.memory_space<hbm>> -> memref<128xi32, #tpu.memory_space<hbm>>
      %dma_wait3A_82 = tpu.memref_slice %arg3[%add3A_72] : memref<32768xi32, #tpu.memory_space<hbm>> -> memref<128xi32, #tpu.memory_space<hbm>>
      tpu.wait_dma2 semaphore(%run_scoped3A : memref<!tpu.dma_semaphore, #tpu.memory_space<semaphore_mem>>) src(%dma_wait3A_82 : memref<128xi32, #tpu.memory_space<hbm>>) dst(%arg5 : memref<128xi32, #tpu.memory_space<vmem>>)
      tpu.yield
    }) : () -> ()
    %dma_start3A_73 = arith.constant 0 : i32
    %dma_start3A_74 = arith.constant 0 : i32
    %dma_start3A_75 = tpu.memref_slice %arg2[%dma_start3A_73, %dma_start3A_74] : memref<65536x128xf32, #tpu.memory_space<hbm>> -> memref<65536x128xf32, #tpu.memory_space<hbm>>
    tpu.enqueue_indirect_dma source(%dma_start3A_75 : memref<65536x128xf32, #tpu.memory_space<hbm>>) target(%arg6 : memref<128x128xf32, #tpu.memory_space<vmem>>) offsets(%arg5 : memref<128xi32, #tpu.memory_space<vmem>>) semaphore(%arg7 : memref<!tpu.dma_semaphore, #tpu.memory_space<semaphore_mem>>)
    %dma_wait3A_76 = arith.constant 0 : i32
    %dma_wait3A_77 = arith.constant 0 : i32
    %dma_wait3A_78 = tpu.memref_slice %arg2[%dma_wait3A_76, %dma_wait3A_77] : memref<65536x128xf32, #tpu.memory_space<hbm>> -> memref<65536x128xf32, #tpu.memory_space<hbm>>
    tpu.wait_indirect_dma semaphore(%arg7 : memref<!tpu.dma_semaphore, #tpu.memory_space<semaphore_mem>>) src(%dma_wait3A_78 : memref<65536x128xf32, #tpu.memory_space<hbm>>) dst(%arg6 : memref<128x128xf32, #tpu.memory_space<vmem>>)
    "tpu.region"() ({
      %run_scoped3A = tpu.sem_alloc : memref<!tpu.dma_semaphore, #tpu.memory_space<semaphore_mem>>
      %dma_start3A_79 = arith.constant 0 : i32
      %dma_start3A_80 = tpu.memref_slice %arg4[%add3A_72, %dma_start3A_79] : memref<32768x128xf32, #tpu.memory_space<hbm>> -> memref<128x128xf32, #tpu.memory_space<hbm>>
      %dma_start3A_81 = arith.constant 0 : i32
      %dma_start3A_82 = tpu.memref_slice %arg4[%add3A_72, %dma_start3A_81] : memref<32768x128xf32, #tpu.memory_space<hbm>> -> memref<128x128xf32, #tpu.memory_space<hbm>>
      tpu.enqueue_dma source(%arg6 : memref<128x128xf32, #tpu.memory_space<vmem>>) target(%dma_start3A_82 : memref<128x128xf32, #tpu.memory_space<hbm>>) target_semaphore(%run_scoped3A : memref<!tpu.dma_semaphore, #tpu.memory_space<semaphore_mem>>)
      %dma_wait3A_83 = arith.constant 0 : i32
      %dma_wait3A_84 = tpu.memref_slice %arg4[%add3A_72, %dma_wait3A_83] : memref<32768x128xf32, #tpu.memory_space<hbm>> -> memref<128x128xf32, #tpu.memory_space<hbm>>
      %dma_wait3A_85 = arith.constant 0 : i32
      %dma_wait3A_86 = tpu.memref_slice %arg4[%add3A_72, %dma_wait3A_85] : memref<32768x128xf32, #tpu.memory_space<hbm>> -> memref<128x128xf32, #tpu.memory_space<hbm>>
      tpu.wait_dma2 semaphore(%run_scoped3A : memref<!tpu.dma_semaphore, #tpu.memory_space<semaphore_mem>>) src(%arg6 : memref<128x128xf32, #tpu.memory_space<vmem>>) dst(%dma_wait3A_86 : memref<128x128xf32, #tpu.memory_space<hbm>>)
      tpu.yield
    }) : () -> ()
    return
  }
}

module attributes {stable_mosaic.version = 14 : i64} {
  func.func @_topk_body(%arg0: i32, %arg1: i32, %arg2: memref<512x3xf32, #tpu.memory_space<vmem>>, %arg3: memref<2048x3xf32, #tpu.memory_space<vmem>>, %arg4: memref<512x1xf32, #tpu.memory_space<vmem>>, %arg5: memref<2048xf32, #tpu.memory_space<vmem>>, %arg6: memref<512x8xi32, #tpu.memory_space<vmem>>, %arg7: memref<512x1024xf32, #tpu.memory_space<vmem>>, %arg8: memref<512x1024xf32, #tpu.memory_space<vmem>>, %arg9: memref<512x1024xf32, #tpu.memory_space<vmem>>, %arg10: memref<512x1024xf32, #tpu.memory_space<vmem>>, %arg11: memref<512x8xf32, #tpu.memory_space<vmem>>, %arg12: memref<512x8xf32, #tpu.memory_space<vmem>>) attributes {dimension_semantics = [#tpu.dimension_semantics<arbitrary>, #tpu.dimension_semantics<arbitrary>], iteration_bounds = array<i64: 8, 32>, scalar_prefetch = 0 : i64, scratch_operands = 6 : i64, tpu.core_type = #tpu.core_type<tc>, window_params = [{transform_indices = @transform_0, window_bounds = array<i64: 512, 3>}, {transform_indices = @transform_1, window_bounds = array<i64: 2048, 3>}, {transform_indices = @transform_2, window_bounds = array<i64: 512, 1>}, {transform_indices = @transform_3, window_bounds = array<i64: 2048>}, {transform_indices = @transform_4, window_bounds = array<i64: 512, 8>}]} {
    %eq3A = arith.constant 0 : i32
    %eq3A_0 = arith.cmpi eq, %arg1, %eq3A : i32
    %convert_element_type3A = arith.extui %eq3A_0 : i1 to i32
    %cond3A = arith.constant 1.000000e+09 : f32
    %cond3A_1 = arith.constant 0 : i32
    %cond3A_2 = arith.cmpi ne, %convert_element_type3A, %cond3A_1 : i32
    scf.if %cond3A_2 {
      %broadcast_in_dim3A_111 = arith.constant 0x7F800000 : f32
      %broadcast_in_dim3A_112 = vector.broadcast %broadcast_in_dim3A_111 : f32 to vector<512x8xf32>
      %swap3A_113 = arith.constant 0 : index
      %swap3A_114 = arith.constant 0 : index
      %swap3A_115 = vector.load %arg11[%swap3A_113, %swap3A_114] : memref<512x8xf32, #tpu.memory_space<vmem>>, vector<512x8xf32>
      tpu.vector_store %arg11[%swap3A_113, %swap3A_114], %broadcast_in_dim3A_112 {strides = array<i32>} : memref<512x8xf32, #tpu.memory_space<vmem>>, vector<512x8xf32>,
      %broadcast_in_dim3A_116 = vector.broadcast %cond3A : f32 to vector<512x8xf32>
      %swap3A_117 = arith.constant 0 : index
      %swap3A_118 = arith.constant 0 : index
      %swap3A_119 = vector.load %arg12[%swap3A_117, %swap3A_118] : memref<512x8xf32, #tpu.memory_space<vmem>>, vector<512x8xf32>
      tpu.vector_store %arg12[%swap3A_117, %swap3A_118], %broadcast_in_dim3A_116 {strides = array<i32>} : memref<512x8xf32, #tpu.memory_space<vmem>>, vector<512x8xf32>,
    } else {
    }
    %get3A = arith.constant 0 : index
    %get3A_3 = arith.constant 0 : index
    %get3A_4 = vector.load %arg2[%get3A, %get3A_3] : memref<512x3xf32, #tpu.memory_space<vmem>>, vector<512x3xf32>
    %get3A_5 = arith.constant 0 : index
    %get3A_6 = arith.constant 0 : index
    %get3A_7 = vector.load %arg3[%get3A_5, %get3A_6] : memref<2048x3xf32, #tpu.memory_space<vmem>>, vector<2048x3xf32>
    %dot_general3A = arith.constant dense<0.000000e+00> : vector<512x2048xf32>
    %dot_general3A_8 = tpu.matmul %get3A_4, %get3A_7, %dot_general3A {dimension_numbers = #tpu.dot_dimension_numbers<[1], [1], [0], [0], [0, 0, 1, 0], [], []>, transpose_lhs_hint = false} : vector<512x3xf32>, vector<2048x3xf32>, vector<512x2048xf32> -> vector<512x2048xf32>
    %get3A_9 = arith.constant 0 : index
    %get3A_10 = arith.constant 0 : index
    %get3A_11 = vector.load %arg4[%get3A_9, %get3A_10] : memref<512x1xf32, #tpu.memory_space<vmem>>, vector<512x1xf32>
    %get3A_12 = arith.constant 0 : index
    %get3A_13 = vector.load %arg5[%get3A_12] : memref<2048xf32, #tpu.memory_space<vmem>>, vector<2048xf32>
    %broadcast_in_dim3A = vector.shape_cast %get3A_13 : vector<2048xf32> to vector<1x2048xf32>
    %add3A = vector.broadcast %get3A_11 : vector<512x1xf32> to vector<512x2048xf32>
    %add3A_14 = vector.broadcast %broadcast_in_dim3A : vector<1x2048xf32> to vector<512x2048xf32>
    %add3A_15 = arith.addf %add3A, %add3A_14 : vector<512x2048xf32>
    %mul3A = arith.constant 2.000000e+00 : f32
    %mul3A_16 = vector.broadcast %mul3A : f32 to vector<512x2048xf32>
    %mul3A_17 = arith.mulf %mul3A_16, %dot_general3A_8 : vector<512x2048xf32>
    %sub3A = arith.subf %add3A_15, %mul3A_17 : vector<512x2048xf32>
    %get3A_18 = arith.constant 0 : index
    %get3A_19 = arith.constant 0 : index
    %get3A_20 = vector.load %arg11[%get3A_18, %get3A_19] : memref<512x8xf32, #tpu.memory_space<vmem>>, vector<512x8xf32>
    %slice3A = vector.extract_strided_slice %get3A_20 {offsets = [0, 7], sizes = [512, 1], strides = [1, 1]} : vector<512x8xf32> to vector<512x1xf32>
    %lt3A = vector.broadcast %slice3A : vector<512x1xf32> to vector<512x2048xf32>
    %lt3A_21 = arith.cmpf olt, %sub3A, %lt3A : vector<512x2048xf32>
    %jit3A = arith.constant 1.000000e+00 : f32
    %jit3A_22 = arith.constant 0.000000e+00 : f32
    %broadcast_in_dim3A_23 = vector.broadcast %jit3A : f32 to vector<512x2048xf32>
    %broadcast_in_dim3A_24 = vector.broadcast %jit3A_22 : f32 to vector<512x2048xf32>
    %select_n3A = arith.select %lt3A_21, %broadcast_in_dim3A_23, %broadcast_in_dim3A_24 : vector<512x2048xi1>, vector<512x2048xf32>
    %reduce_sum3A = arith.constant dense<0.000000e+00> : vector<512xf32>
    %reduce_sum3A_25 = vector.multi_reduction <add>, %select_n3A, %reduce_sum3A [1] : vector<512x2048xf32> to vector<512xf32>
    %reduce_max3A = vector.shape_cast %reduce_sum3A_25 : vector<512xf32> to vector<1x512xf32>
    %reduce_max3A_26 = arith.constant dense<0xFF800000> : vector<1xf32>
    %reduce_max3A_27 = vector.multi_reduction <maximumf>, %reduce_max3A, %reduce_max3A_26 [1] : vector<1x512xf32> to vector<1xf32>
    %reduce_max3A_28 = vector.shape_cast %reduce_max3A_27 : vector<1xf32> to vector<1x1xf32>
    %reduce_max3A_29 = vector.extract %reduce_max3A_28[0, 0] : f32 from vector<1x1xf32>
    %min3A = arith.constant 8.000000e+00 : f32
    %min3A_30 = arith.minimumf %reduce_max3A_29, %min3A : f32
    %mul3A_31 = arith.constant 2048 : i32
    %mul3A_32 = arith.muli %arg1, %mul3A_31 : i32
    %slice3A_33 = vector.extract_strided_slice %sub3A {offsets = [0, 0], sizes = [512, 1024], strides = [1, 1]} : vector<512x2048xf32> to vector<512x1024xf32>
    %slice3A_34 = vector.extract_strided_slice %sub3A {offsets = [0, 1024], sizes = [512, 1024], strides = [1, 1]} : vector<512x2048xf32> to vector<512x1024xf32>
    %iota3A = tpu.iota {dimensions = array<i32: 1>} : vector<512x1024xi32>
    %convert_element_type3A_35 = arith.sitofp %iota3A : vector<512x1024xi32> to vector<512x1024xf32>
    %convert_element_type3A_36 = arith.sitofp %mul3A_32 : i32 to f32
    %add3A_37 = vector.broadcast %convert_element_type3A_36 : f32 to vector<512x1024xf32>
    %add3A_38 = arith.addf %convert_element_type3A_35, %add3A_37 : vector<512x1024xf32>
    %add3A_39 = arith.constant 1.024000e+03 : f32
    %add3A_40 = vector.broadcast %add3A_39 : f32 to vector<512x1024xf32>
    %add3A_41 = arith.addf %add3A_38, %add3A_40 : vector<512x1024xf32>
    %le3A = arith.cmpf ole, %slice3A_33, %slice3A_34 : vector<512x1024xf32>
    %select_n3A_42 = arith.select %le3A, %slice3A_33, %slice3A_34 : vector<512x1024xi1>, vector<512x1024xf32>
    %swap3A = arith.constant 0 : index
    %swap3A_43 = arith.constant 0 : index
    %swap3A_44 = vector.load %arg7[%swap3A, %swap3A_43] : memref<512x1024xf32, #tpu.memory_space<vmem>>, vector<512x1024xf32>
    tpu.vector_store %arg7[%swap3A, %swap3A_43], %select_n3A_42 {strides = array<i32>} : memref<512x1024xf32, #tpu.memory_space<vmem>>, vector<512x1024xf32>,
    %select_n3A_45 = arith.select %le3A, %add3A_38, %add3A_41 : vector<512x1024xi1>, vector<512x1024xf32>
    %swap3A_46 = arith.constant 0 : index
    %swap3A_47 = arith.constant 0 : index
    %swap3A_48 = vector.load %arg8[%swap3A_46, %swap3A_47] : memref<512x1024xf32, #tpu.memory_space<vmem>>, vector<512x1024xf32>
    tpu.vector_store %arg8[%swap3A_46, %swap3A_47], %select_n3A_45 {strides = array<i32>} : memref<512x1024xf32, #tpu.memory_space<vmem>>, vector<512x1024xf32>,
    %select_n3A_49 = arith.select %le3A, %slice3A_34, %slice3A_33 : vector<512x1024xi1>, vector<512x1024xf32>
    %swap3A_50 = arith.constant 0 : index
    %swap3A_51 = arith.constant 0 : index
    %swap3A_52 = vector.load %arg9[%swap3A_50, %swap3A_51] : memref<512x1024xf32, #tpu.memory_space<vmem>>, vector<512x1024xf32>
    tpu.vector_store %arg9[%swap3A_50, %swap3A_51], %select_n3A_49 {strides = array<i32>} : memref<512x1024xf32, #tpu.memory_space<vmem>>, vector<512x1024xf32>,
    %select_n3A_53 = arith.select %le3A, %add3A_41, %add3A_38 : vector<512x1024xi1>, vector<512x1024xf32>
    %swap3A_54 = arith.constant 0 : index
    %swap3A_55 = arith.constant 0 : index
    %swap3A_56 = vector.load %arg10[%swap3A_54, %swap3A_55] : memref<512x1024xf32, #tpu.memory_space<vmem>>, vector<512x1024xf32>
    tpu.vector_store %arg10[%swap3A_54, %swap3A_55], %select_n3A_53 {strides = array<i32>} : memref<512x1024xf32, #tpu.memory_space<vmem>>, vector<512x1024xf32>,
    %iota3A_57 = tpu.iota {dimensions = array<i32: 1>} : vector<512x8xi32>
    %convert_element_type3A_58 = arith.sitofp %iota3A_57 : vector<512x8xi32> to vector<512x8xf32>
    %gt3A = arith.constant 0.000000e+00 : f32
    %gt3A_59 = arith.cmpf ogt, %min3A_30, %gt3A : f32
    %convert_element_type3A_60 = arith.extui %gt3A_59 : i1 to i32
    %cond3A_61 = arith.constant 1.000000e+09 : f32
    %cond3A_62 = arith.constant 0 : i32
    %cond3A_63 = arith.cmpi ne, %convert_element_type3A_60, %cond3A_62 : i32
    scf.if %cond3A_63 {
      %get3A_111 = arith.constant 0 : index
      %get3A_112 = arith.constant 0 : index
      %get3A_113 = vector.load %arg7[%get3A_111, %get3A_112] : memref<512x1024xf32, #tpu.memory_space<vmem>>, vector<512x1024xf32>
      %get3A_114 = arith.constant 0 : index
      %get3A_115 = arith.constant 0 : index
      %get3A_116 = vector.load %arg8[%get3A_114, %get3A_115] : memref<512x1024xf32, #tpu.memory_space<vmem>>, vector<512x1024xf32>
      %reduce_min3A = arith.constant dense<0x7F800000> : vector<512xf32>
      %reduce_min3A_117 = vector.multi_reduction <minimumf>, %get3A_113, %reduce_min3A [1] : vector<512x1024xf32> to vector<512xf32>
      %broadcast_in_dim3A_118 = vector.shape_cast %reduce_min3A_117 : vector<512xf32> to vector<512x1xf32>
      %eq3A_119 = vector.broadcast %broadcast_in_dim3A_118 : vector<512x1xf32> to vector<512x1024xf32>
      %eq3A_120 = arith.cmpf oeq, %get3A_113, %eq3A_119 : vector<512x1024xf32>
      %broadcast_in_dim3A_121 = vector.broadcast %cond3A_61 : f32 to vector<512x1024xf32>
      %select_n3A_122 = arith.select %eq3A_120, %get3A_116, %broadcast_in_dim3A_121 : vector<512x1024xi1>, vector<512x1024xf32>
      %reduce_min3A_123 = arith.constant dense<0x7F800000> : vector<512xf32>
      %reduce_min3A_124 = vector.multi_reduction <minimumf>, %select_n3A_122, %reduce_min3A_123 [1] : vector<512x1024xf32> to vector<512xf32>
      %broadcast_in_dim3A_125 = vector.shape_cast %reduce_min3A_124 : vector<512xf32> to vector<512x1xf32>
      %get3A_126 = arith.constant 0 : index
      %get3A_127 = arith.constant 0 : index
      %get3A_128 = vector.load %arg11[%get3A_126, %get3A_127] : memref<512x8xf32, #tpu.memory_space<vmem>>, vector<512x8xf32>
      %get3A_129 = arith.constant 0 : index
      %get3A_130 = arith.constant 0 : index
      %get3A_131 = vector.load %arg12[%get3A_129, %get3A_130] : memref<512x8xf32, #tpu.memory_space<vmem>>, vector<512x8xf32>
      %lt3A_132 = vector.broadcast %broadcast_in_dim3A_118 : vector<512x1xf32> to vector<512x8xf32>
      %lt3A_133 = arith.cmpf olt, %get3A_128, %lt3A_132 : vector<512x8xf32>
      %eq3A_134 = vector.broadcast %broadcast_in_dim3A_118 : vector<512x1xf32> to vector<512x8xf32>
      %eq3A_135 = arith.cmpf oeq, %get3A_128, %eq3A_134 : vector<512x8xf32>
      %lt3A_136 = vector.broadcast %broadcast_in_dim3A_125 : vector<512x1xf32> to vector<512x8xf32>
      %lt3A_137 = arith.cmpf olt, %get3A_131, %lt3A_136 : vector<512x8xf32>
      %and3A = arith.andi %eq3A_135, %lt3A_137 : vector<512x8xi1>
      %or3A = arith.ori %lt3A_133, %and3A : vector<512x8xi1>
      %jit3A_138 = arith.constant 1.000000e+00 : f32
      %jit3A_139 = arith.constant 0.000000e+00 : f32
      %broadcast_in_dim3A_140 = vector.broadcast %jit3A_138 : f32 to vector<512x8xf32>
      %broadcast_in_dim3A_141 = vector.broadcast %jit3A_139 : f32 to vector<512x8xf32>
      %select_n3A_142 = arith.select %or3A, %broadcast_in_dim3A_140, %broadcast_in_dim3A_141 : vector<512x8xi1>, vector<512x8xf32>
      %reduce_sum3A_143 = arith.constant dense<0.000000e+00> : vector<512xf32>
      %reduce_sum3A_144 = vector.multi_reduction <add>, %select_n3A_142, %reduce_sum3A_143 [1] : vector<512x8xf32> to vector<512xf32>
      %broadcast_in_dim3A_145 = vector.shape_cast %reduce_sum3A_144 : vector<512xf32> to vector<512x1xf32>
      %slice3A_146 = vector.extract_strided_slice %get3A_128 {offsets = [0, 0], sizes = [512, 1], strides = [1, 1]} : vector<512x8xf32> to vector<512x1xf32>
      %slice3A_147 = vector.extract_strided_slice %get3A_128 {offsets = [0, 0], sizes = [512, 7], strides = [1, 1]} : vector<512x8xf32> to vector<512x7xf32>
      %concatenate3A = tpu.concatenate %slice3A_146, %slice3A_147 in 1 : vector<512x1xf32>, vector<512x7xf32> -> vector<512x8xf32>
      %slice3A_148 = vector.extract_strided_slice %get3A_131 {offsets = [0, 0], sizes = [512, 1], strides = [1, 1]} : vector<512x8xf32> to vector<512x1xf32>
      %slice3A_149 = vector.extract_strided_slice %get3A_131 {offsets = [0, 0], sizes = [512, 7], strides = [1, 1]} : vector<512x8xf32> to vector<512x7xf32>
      %concatenate3A_150 = tpu.concatenate %slice3A_148, %slice3A_149 in 1 : vector<512x1xf32>, vector<512x7xf32> -> vector<512x8xf32>
      %lt3A_151 = vector.broadcast %broadcast_in_dim3A_145 : vector<512x1xf32> to vector<512x8xf32>
      %lt3A_152 = arith.cmpf olt, %convert_element_type3A_58, %lt3A_151 : vector<512x8xf32>
      %eq3A_153 = vector.broadcast %broadcast_in_dim3A_145 : vector<512x1xf32> to vector<512x8xf32>
      %eq3A_154 = arith.cmpf oeq, %convert_element_type3A_58, %eq3A_153 : vector<512x8xf32>
      %broadcast_in_dim3A_155 = vector.shape_cast %broadcast_in_dim3A_118 : vector<512x1xf32> to vector<512x1xf32>
      %broadcast_in_dim3A_156 = vector.broadcast %broadcast_in_dim3A_155 : vector<512x1xf32> to vector<512x8xf32>
      %select_n3A_157 = arith.select %eq3A_154, %broadcast_in_dim3A_156, %concatenate3A : vector<512x8xi1>, vector<512x8xf32>
      %select_n3A_158 = arith.select %lt3A_152, %get3A_128, %select_n3A_157 : vector<512x8xi1>, vector<512x8xf32>
      %swap3A_159 = arith.constant 0 : index
      %swap3A_160 = arith.constant 0 : index
      %swap3A_161 = vector.load %arg11[%swap3A_159, %swap3A_160] : memref<512x8xf32, #tpu.memory_space<vmem>>, vector<512x8xf32>
      tpu.vector_store %arg11[%swap3A_159, %swap3A_160], %select_n3A_158 {strides = array<i32>} : memref<512x8xf32, #tpu.memory_space<vmem>>, vector<512x8xf32>,
      %lt3A_162 = vector.broadcast %broadcast_in_dim3A_145 : vector<512x1xf32> to vector<512x8xf32>
      %lt3A_163 = arith.cmpf olt, %convert_element_type3A_58, %lt3A_162 : vector<512x8xf32>
      %eq3A_164 = vector.broadcast %broadcast_in_dim3A_145 : vector<512x1xf32> to vector<512x8xf32>
      %eq3A_165 = arith.cmpf oeq, %convert_element_type3A_58, %eq3A_164 : vector<512x8xf32>
      %broadcast_in_dim3A_166 = vector.shape_cast %broadcast_in_dim3A_125 : vector<512x1xf32> to vector<512x1xf32>
      %broadcast_in_dim3A_167 = vector.broadcast %broadcast_in_dim3A_166 : vector<512x1xf32> to vector<512x8xf32>
      %select_n3A_168 = arith.select %eq3A_165, %broadcast_in_dim3A_167, %concatenate3A_150 : vector<512x8xi1>, vector<512x8xf32>
      %select_n3A_169 = arith.select %lt3A_163, %get3A_131, %select_n3A_168 : vector<512x8xi1>, vector<512x8xf32>
      %swap3A_170 = arith.constant 0 : index
      %swap3A_171 = arith.constant 0 : index
      %swap3A_172 = vector.load %arg12[%swap3A_170, %swap3A_171] : memref<512x8xf32, #tpu.memory_space<vmem>>, vector<512x8xf32>
      tpu.vector_store %arg12[%swap3A_170, %swap3A_171], %select_n3A_169 {strides = array<i32>} : memref<512x8xf32, #tpu.memory_space<vmem>>, vector<512x8xf32>,
      %eq3A_173 = vector.broadcast %broadcast_in_dim3A_125 : vector<512x1xf32> to vector<512x1024xf32>
      %eq3A_174 = arith.cmpf oeq, %get3A_116, %eq3A_173 : vector<512x1024xf32>
      %get3A_175 = arith.constant 0 : index
      %get3A_176 = arith.constant 0 : index
      %get3A_177 = vector.load %arg9[%get3A_175, %get3A_176] : memref<512x1024xf32, #tpu.memory_space<vmem>>, vector<512x1024xf32>
      %select_n3A_178 = arith.select %eq3A_174, %get3A_177, %get3A_113 : vector<512x1024xi1>, vector<512x1024xf32>
      %swap3A_179 = arith.constant 0 : index
      %swap3A_180 = arith.constant 0 : index
      %swap3A_181 = vector.load %arg7[%swap3A_179, %swap3A_180] : memref<512x1024xf32, #tpu.memory_space<vmem>>, vector<512x1024xf32>
      tpu.vector_store %arg7[%swap3A_179, %swap3A_180], %select_n3A_178 {strides = array<i32>} : memref<512x1024xf32, #tpu.memory_space<vmem>>, vector<512x1024xf32>,
      %get3A_182 = arith.constant 0 : index
      %get3A_183 = arith.constant 0 : index
      %get3A_184 = vector.load %arg10[%get3A_182, %get3A_183] : memref<512x1024xf32, #tpu.memory_space<vmem>>, vector<512x1024xf32>
      %select_n3A_185 = arith.select %eq3A_174, %get3A_184, %get3A_116 : vector<512x1024xi1>, vector<512x1024xf32>
      %swap3A_186 = arith.constant 0 : index
      %swap3A_187 = arith.constant 0 : index
      %swap3A_188 = vector.load %arg8[%swap3A_186, %swap3A_187] : memref<512x1024xf32, #tpu.memory_space<vmem>>, vector<512x1024xf32>
      tpu.vector_store %arg8[%swap3A_186, %swap3A_187], %select_n3A_185 {strides = array<i32>} : memref<512x1024xf32, #tpu.memory_space<vmem>>, vector<512x1024xf32>,
      %get3A_189 = arith.constant 0 : index
      %get3A_190 = arith.constant 0 : index
      %get3A_191 = vector.load %arg9[%get3A_189, %get3A_190] : memref<512x1024xf32, #tpu.memory_space<vmem>>, vector<512x1024xf32>
      %jit3A_192 = arith.constant 0x7F800000 : f32
      %broadcast_in_dim3A_193 = vector.broadcast %jit3A_192 : f32 to vector<512x1024xf32>
      %select_n3A_194 = arith.select %eq3A_174, %broadcast_in_dim3A_193, %get3A_191 : vector<512x1024xi1>, vector<512x1024xf32>
      %swap3A_195 = arith.constant 0 : index
      %swap3A_196 = arith.constant 0 : index
      %swap3A_197 = vector.load %arg9[%swap3A_195, %swap3A_196] : memref<512x1024xf32, #tpu.memory_space<vmem>>, vector<512x1024xf32>
      tpu.vector_store %arg9[%swap3A_195, %swap3A_196], %select_n3A_194 {strides = array<i32>} : memref<512x1024xf32, #tpu.memory_space<vmem>>, vector<512x1024xf32>,
    } else {
    }
    %gt3A_64 = arith.constant 1.000000e+00 : f32
    %gt3A_65 = arith.cmpf ogt, %min3A_30, %gt3A_64 : f32
    %convert_element_type3A_66 = arith.extui %gt3A_65 : i1 to i32
    %cond3A_67 = arith.constant 1.000000e+09 : f32
    %cond3A_68 = arith.constant 0 : i32
    %cond3A_69 = arith.cmpi ne, %convert_element_type3A_66, %cond3A_68 : i32
    scf.if %cond3A_69 {
      %get3A_111 = arith.constant 0 : index
      %get3A_112 = arith.constant 0 : index
      %get3A_113 = vector.load %arg7[%get3A_111, %get3A_112] : memref<512x1024xf32, #tpu.memory_space<vmem>>, vector<512x1024xf32>
      %get3A_114 = arith.constant 0 : index
      %get3A_115 = arith.constant 0 : index
      %get3A_116 = vector.load %arg8[%get3A_114, %get3A_115] : memref<512x1024xf32, #tpu.memory_space<vmem>>, vector<512x1024xf32>
      %reduce_min3A = arith.constant dense<0x7F800000> : vector<512xf32>
      %reduce_min3A_117 = vector.multi_reduction <minimumf>, %get3A_113, %reduce_min3A [1] : vector<512x1024xf32> to vector<512xf32>
      %broadcast_in_dim3A_118 = vector.shape_cast %reduce_min3A_117 : vector<512xf32> to vector<512x1xf32>
      %eq3A_119 = vector.broadcast %broadcast_in_dim3A_118 : vector<512x1xf32> to vector<512x1024xf32>
      %eq3A_120 = arith.cmpf oeq, %get3A_113, %eq3A_119 : vector<512x1024xf32>
      %broadcast_in_dim3A_121 = vector.broadcast %cond3A_67 : f32 to vector<512x1024xf32>
      %select_n3A_122 = arith.select %eq3A_120, %get3A_116, %broadcast_in_dim3A_121 : vector<512x1024xi1>, vector<512x1024xf32>
      %reduce_min3A_123 = arith.constant dense<0x7F800000> : vector<512xf32>
      %reduce_min3A_124 = vector.multi_reduction <minimumf>, %select_n3A_122, %reduce_min3A_123 [1] : vector<512x1024xf32> to vector<512xf32>
      %broadcast_in_dim3A_125 = vector.shape_cast %reduce_min3A_124 : vector<512xf32> to vector<512x1xf32>
      %get3A_126 = arith.constant 0 : index
      %get3A_127 = arith.constant 0 : index
      %get3A_128 = vector.load %arg11[%get3A_126, %get3A_127] : memref<512x8xf32, #tpu.memory_space<vmem>>, vector<512x8xf32>
      %get3A_129 = arith.constant 0 : index
      %get3A_130 = arith.constant 0 : index
      %get3A_131 = vector.load %arg12[%get3A_129, %get3A_130] : memref<512x8xf32, #tpu.memory_space<vmem>>, vector<512x8xf32>
      %lt3A_132 = vector.broadcast %broadcast_in_dim3A_118 : vector<512x1xf32> to vector<512x8xf32>
      %lt3A_133 = arith.cmpf olt, %get3A_128, %lt3A_132 : vector<512x8xf32>
      %eq3A_134 = vector.broadcast %broadcast_in_dim3A_118 : vector<512x1xf32> to vector<512x8xf32>
      %eq3A_135 = arith.cmpf oeq, %get3A_128, %eq3A_134 : vector<512x8xf32>
      %lt3A_136 = vector.broadcast %broadcast_in_dim3A_125 : vector<512x1xf32> to vector<512x8xf32>
      %lt3A_137 = arith.cmpf olt, %get3A_131, %lt3A_136 : vector<512x8xf32>
      %and3A = arith.andi %eq3A_135, %lt3A_137 : vector<512x8xi1>
      %or3A = arith.ori %lt3A_133, %and3A : vector<512x8xi1>
      %jit3A_138 = arith.constant 1.000000e+00 : f32
      %jit3A_139 = arith.constant 0.000000e+00 : f32
      %broadcast_in_dim3A_140 = vector.broadcast %jit3A_138 : f32 to vector<512x8xf32>
      %broadcast_in_dim3A_141 = vector.broadcast %jit3A_139 : f32 to vector<512x8xf32>
      %select_n3A_142 = arith.select %or3A, %broadcast_in_dim3A_140, %broadcast_in_dim3A_141 : vector<512x8xi1>, vector<512x8xf32>
      %reduce_sum3A_143 = arith.constant dense<0.000000e+00> : vector<512xf32>
      %reduce_sum3A_144 = vector.multi_reduction <add>, %select_n3A_142, %reduce_sum3A_143 [1] : vector<512x8xf32> to vector<512xf32>
      %broadcast_in_dim3A_145 = vector.shape_cast %reduce_sum3A_144 : vector<512xf32> to vector<512x1xf32>
      %slice3A_146 = vector.extract_strided_slice %get3A_128 {offsets = [0, 0], sizes = [512, 1], strides = [1, 1]} : vector<512x8xf32> to vector<512x1xf32>
      %slice3A_147 = vector.extract_strided_slice %get3A_128 {offsets = [0, 0], sizes = [512, 7], strides = [1, 1]} : vector<512x8xf32> to vector<512x7xf32>
      %concatenate3A = tpu.concatenate %slice3A_146, %slice3A_147 in 1 : vector<512x1xf32>, vector<512x7xf32> -> vector<512x8xf32>
      %slice3A_148 = vector.extract_strided_slice %get3A_131 {offsets = [0, 0], sizes = [512, 1], strides = [1, 1]} : vector<512x8xf32> to vector<512x1xf32>
      %slice3A_149 = vector.extract_strided_slice %get3A_131 {offsets = [0, 0], sizes = [512, 7], strides = [1, 1]} : vector<512x8xf32> to vector<512x7xf32>
      %concatenate3A_150 = tpu.concatenate %slice3A_148, %slice3A_149 in 1 : vector<512x1xf32>, vector<512x7xf32> -> vector<512x8xf32>
      %lt3A_151 = vector.broadcast %broadcast_in_dim3A_145 : vector<512x1xf32> to vector<512x8xf32>
      %lt3A_152 = arith.cmpf olt, %convert_element_type3A_58, %lt3A_151 : vector<512x8xf32>
      %eq3A_153 = vector.broadcast %broadcast_in_dim3A_145 : vector<512x1xf32> to vector<512x8xf32>
      %eq3A_154 = arith.cmpf oeq, %convert_element_type3A_58, %eq3A_153 : vector<512x8xf32>
      %broadcast_in_dim3A_155 = vector.shape_cast %broadcast_in_dim3A_118 : vector<512x1xf32> to vector<512x1xf32>
      %broadcast_in_dim3A_156 = vector.broadcast %broadcast_in_dim3A_155 : vector<512x1xf32> to vector<512x8xf32>
      %select_n3A_157 = arith.select %eq3A_154, %broadcast_in_dim3A_156, %concatenate3A : vector<512x8xi1>, vector<512x8xf32>
      %select_n3A_158 = arith.select %lt3A_152, %get3A_128, %select_n3A_157 : vector<512x8xi1>, vector<512x8xf32>
      %swap3A_159 = arith.constant 0 : index
      %swap3A_160 = arith.constant 0 : index
      %swap3A_161 = vector.load %arg11[%swap3A_159, %swap3A_160] : memref<512x8xf32, #tpu.memory_space<vmem>>, vector<512x8xf32>
      tpu.vector_store %arg11[%swap3A_159, %swap3A_160], %select_n3A_158 {strides = array<i32>} : memref<512x8xf32, #tpu.memory_space<vmem>>, vector<512x8xf32>,
      %lt3A_162 = vector.broadcast %broadcast_in_dim3A_145 : vector<512x1xf32> to vector<512x8xf32>
      %lt3A_163 = arith.cmpf olt, %convert_element_type3A_58, %lt3A_162 : vector<512x8xf32>
      %eq3A_164 = vector.broadcast %broadcast_in_dim3A_145 : vector<512x1xf32> to vector<512x8xf32>
      %eq3A_165 = arith.cmpf oeq, %convert_element_type3A_58, %eq3A_164 : vector<512x8xf32>
      %broadcast_in_dim3A_166 = vector.shape_cast %broadcast_in_dim3A_125 : vector<512x1xf32> to vector<512x1xf32>
      %broadcast_in_dim3A_167 = vector.broadcast %broadcast_in_dim3A_166 : vector<512x1xf32> to vector<512x8xf32>
      %select_n3A_168 = arith.select %eq3A_165, %broadcast_in_dim3A_167, %concatenate3A_150 : vector<512x8xi1>, vector<512x8xf32>
      %select_n3A_169 = arith.select %lt3A_163, %get3A_131, %select_n3A_168 : vector<512x8xi1>, vector<512x8xf32>
      %swap3A_170 = arith.constant 0 : index
      %swap3A_171 = arith.constant 0 : index
      %swap3A_172 = vector.load %arg12[%swap3A_170, %swap3A_171] : memref<512x8xf32, #tpu.memory_space<vmem>>, vector<512x8xf32>
      tpu.vector_store %arg12[%swap3A_170, %swap3A_171], %select_n3A_169 {strides = array<i32>} : memref<512x8xf32, #tpu.memory_space<vmem>>, vector<512x8xf32>,
      %eq3A_173 = vector.broadcast %broadcast_in_dim3A_125 : vector<512x1xf32> to vector<512x1024xf32>
      %eq3A_174 = arith.cmpf oeq, %get3A_116, %eq3A_173 : vector<512x1024xf32>
      %get3A_175 = arith.constant 0 : index
      %get3A_176 = arith.constant 0 : index
      %get3A_177 = vector.load %arg9[%get3A_175, %get3A_176] : memref<512x1024xf32, #tpu.memory_space<vmem>>, vector<512x1024xf32>
      %select_n3A_178 = arith.select %eq3A_174, %get3A_177, %get3A_113 : vector<512x1024xi1>, vector<512x1024xf32>
      %swap3A_179 = arith.constant 0 : index
      %swap3A_180 = arith.constant 0 : index
      %swap3A_181 = vector.load %arg7[%swap3A_179, %swap3A_180] : memref<512x1024xf32, #tpu.memory_space<vmem>>, vector<512x1024xf32>
      tpu.vector_store %arg7[%swap3A_179, %swap3A_180], %select_n3A_178 {strides = array<i32>} : memref<512x1024xf32, #tpu.memory_space<vmem>>, vector<512x1024xf32>,
      %get3A_182 = arith.constant 0 : index
      %get3A_183 = arith.constant 0 : index
      %get3A_184 = vector.load %arg10[%get3A_182, %get3A_183] : memref<512x1024xf32, #tpu.memory_space<vmem>>, vector<512x1024xf32>
      %select_n3A_185 = arith.select %eq3A_174, %get3A_184, %get3A_116 : vector<512x1024xi1>, vector<512x1024xf32>
      %swap3A_186 = arith.constant 0 : index
      %swap3A_187 = arith.constant 0 : index
      %swap3A_188 = vector.load %arg8[%swap3A_186, %swap3A_187] : memref<512x1024xf32, #tpu.memory_space<vmem>>, vector<512x1024xf32>
      tpu.vector_store %arg8[%swap3A_186, %swap3A_187], %select_n3A_185 {strides = array<i32>} : memref<512x1024xf32, #tpu.memory_space<vmem>>, vector<512x1024xf32>,
      %get3A_189 = arith.constant 0 : index
      %get3A_190 = arith.constant 0 : index
      %get3A_191 = vector.load %arg9[%get3A_189, %get3A_190] : memref<512x1024xf32, #tpu.memory_space<vmem>>, vector<512x1024xf32>
      %jit3A_192 = arith.constant 0x7F800000 : f32
      %broadcast_in_dim3A_193 = vector.broadcast %jit3A_192 : f32 to vector<512x1024xf32>
      %select_n3A_194 = arith.select %eq3A_174, %broadcast_in_dim3A_193, %get3A_191 : vector<512x1024xi1>, vector<512x1024xf32>
      %swap3A_195 = arith.constant 0 : index
      %swap3A_196 = arith.constant 0 : index
      %swap3A_197 = vector.load %arg9[%swap3A_195, %swap3A_196] : memref<512x1024xf32, #tpu.memory_space<vmem>>, vector<512x1024xf32>
      tpu.vector_store %arg9[%swap3A_195, %swap3A_196], %select_n3A_194 {strides = array<i32>} : memref<512x1024xf32, #tpu.memory_space<vmem>>, vector<512x1024xf32>,
    } else {
    }
    %gt3A_70 = arith.constant 2.000000e+00 : f32
    %gt3A_71 = arith.cmpf ogt, %min3A_30, %gt3A_70 : f32
    %convert_element_type3A_72 = arith.extui %gt3A_71 : i1 to i32
    %cond3A_73 = arith.constant 1.000000e+09 : f32
    %cond3A_74 = arith.constant 0 : i32
    %cond3A_75 = arith.cmpi ne, %convert_element_type3A_72, %cond3A_74 : i32
    scf.if %cond3A_75 {
      %get3A_111 = arith.constant 0 : index
      %get3A_112 = arith.constant 0 : index
      %get3A_113 = vector.load %arg7[%get3A_111, %get3A_112] : memref<512x1024xf32, #tpu.memory_space<vmem>>, vector<512x1024xf32>
      %get3A_114 = arith.constant 0 : index
      %get3A_115 = arith.constant 0 : index
      %get3A_116 = vector.load %arg8[%get3A_114, %get3A_115] : memref<512x1024xf32, #tpu.memory_space<vmem>>, vector<512x1024xf32>
      %reduce_min3A = arith.constant dense<0x7F800000> : vector<512xf32>
      %reduce_min3A_117 = vector.multi_reduction <minimumf>, %get3A_113, %reduce_min3A [1] : vector<512x1024xf32> to vector<512xf32>
      %broadcast_in_dim3A_118 = vector.shape_cast %reduce_min3A_117 : vector<512xf32> to vector<512x1xf32>
      %eq3A_119 = vector.broadcast %broadcast_in_dim3A_118 : vector<512x1xf32> to vector<512x1024xf32>
      %eq3A_120 = arith.cmpf oeq, %get3A_113, %eq3A_119 : vector<512x1024xf32>
      %broadcast_in_dim3A_121 = vector.broadcast %cond3A_73 : f32 to vector<512x1024xf32>
      %select_n3A_122 = arith.select %eq3A_120, %get3A_116, %broadcast_in_dim3A_121 : vector<512x1024xi1>, vector<512x1024xf32>
      %reduce_min3A_123 = arith.constant dense<0x7F800000> : vector<512xf32>
      %reduce_min3A_124 = vector.multi_reduction <minimumf>, %select_n3A_122, %reduce_min3A_123 [1] : vector<512x1024xf32> to vector<512xf32>
      %broadcast_in_dim3A_125 = vector.shape_cast %reduce_min3A_124 : vector<512xf32> to vector<512x1xf32>
      %get3A_126 = arith.constant 0 : index
      %get3A_127 = arith.constant 0 : index
      %get3A_128 = vector.load %arg11[%get3A_126, %get3A_127] : memref<512x8xf32, #tpu.memory_space<vmem>>, vector<512x8xf32>
      %get3A_129 = arith.constant 0 : index
      %get3A_130 = arith.constant 0 : index
      %get3A_131 = vector.load %arg12[%get3A_129, %get3A_130] : memref<512x8xf32, #tpu.memory_space<vmem>>, vector<512x8xf32>
      %lt3A_132 = vector.broadcast %broadcast_in_dim3A_118 : vector<512x1xf32> to vector<512x8xf32>
      %lt3A_133 = arith.cmpf olt, %get3A_128, %lt3A_132 : vector<512x8xf32>
      %eq3A_134 = vector.broadcast %broadcast_in_dim3A_118 : vector<512x1xf32> to vector<512x8xf32>
      %eq3A_135 = arith.cmpf oeq, %get3A_128, %eq3A_134 : vector<512x8xf32>
      %lt3A_136 = vector.broadcast %broadcast_in_dim3A_125 : vector<512x1xf32> to vector<512x8xf32>
      %lt3A_137 = arith.cmpf olt, %get3A_131, %lt3A_136 : vector<512x8xf32>
      %and3A = arith.andi %eq3A_135, %lt3A_137 : vector<512x8xi1>
      %or3A = arith.ori %lt3A_133, %and3A : vector<512x8xi1>
      %jit3A_138 = arith.constant 1.000000e+00 : f32
      %jit3A_139 = arith.constant 0.000000e+00 : f32
      %broadcast_in_dim3A_140 = vector.broadcast %jit3A_138 : f32 to vector<512x8xf32>
      %broadcast_in_dim3A_141 = vector.broadcast %jit3A_139 : f32 to vector<512x8xf32>
      %select_n3A_142 = arith.select %or3A, %broadcast_in_dim3A_140, %broadcast_in_dim3A_141 : vector<512x8xi1>, vector<512x8xf32>
      %reduce_sum3A_143 = arith.constant dense<0.000000e+00> : vector<512xf32>
      %reduce_sum3A_144 = vector.multi_reduction <add>, %select_n3A_142, %reduce_sum3A_143 [1] : vector<512x8xf32> to vector<512xf32>
      %broadcast_in_dim3A_145 = vector.shape_cast %reduce_sum3A_144 : vector<512xf32> to vector<512x1xf32>
      %slice3A_146 = vector.extract_strided_slice %get3A_128 {offsets = [0, 0], sizes = [512, 1], strides = [1, 1]} : vector<512x8xf32> to vector<512x1xf32>
      %slice3A_147 = vector.extract_strided_slice %get3A_128 {offsets = [0, 0], sizes = [512, 7], strides = [1, 1]} : vector<512x8xf32> to vector<512x7xf32>
      %concatenate3A = tpu.concatenate %slice3A_146, %slice3A_147 in 1 : vector<512x1xf32>, vector<512x7xf32> -> vector<512x8xf32>
      %slice3A_148 = vector.extract_strided_slice %get3A_131 {offsets = [0, 0], sizes = [512, 1], strides = [1, 1]} : vector<512x8xf32> to vector<512x1xf32>
      %slice3A_149 = vector.extract_strided_slice %get3A_131 {offsets = [0, 0], sizes = [512, 7], strides = [1, 1]} : vector<512x8xf32> to vector<512x7xf32>
      %concatenate3A_150 = tpu.concatenate %slice3A_148, %slice3A_149 in 1 : vector<512x1xf32>, vector<512x7xf32> -> vector<512x8xf32>
      %lt3A_151 = vector.broadcast %broadcast_in_dim3A_145 : vector<512x1xf32> to vector<512x8xf32>
      %lt3A_152 = arith.cmpf olt, %convert_element_type3A_58, %lt3A_151 : vector<512x8xf32>
      %eq3A_153 = vector.broadcast %broadcast_in_dim3A_145 : vector<512x1xf32> to vector<512x8xf32>
      %eq3A_154 = arith.cmpf oeq, %convert_element_type3A_58, %eq3A_153 : vector<512x8xf32>
      %broadcast_in_dim3A_155 = vector.shape_cast %broadcast_in_dim3A_118 : vector<512x1xf32> to vector<512x1xf32>
      %broadcast_in_dim3A_156 = vector.broadcast %broadcast_in_dim3A_155 : vector<512x1xf32> to vector<512x8xf32>
      %select_n3A_157 = arith.select %eq3A_154, %broadcast_in_dim3A_156, %concatenate3A : vector<512x8xi1>, vector<512x8xf32>
      %select_n3A_158 = arith.select %lt3A_152, %get3A_128, %select_n3A_157 : vector<512x8xi1>, vector<512x8xf32>
      %swap3A_159 = arith.constant 0 : index
      %swap3A_160 = arith.constant 0 : index
      %swap3A_161 = vector.load %arg11[%swap3A_159, %swap3A_160] : memref<512x8xf32, #tpu.memory_space<vmem>>, vector<512x8xf32>
      tpu.vector_store %arg11[%swap3A_159, %swap3A_160], %select_n3A_158 {strides = array<i32>} : memref<512x8xf32, #tpu.memory_space<vmem>>, vector<512x8xf32>,
      %lt3A_162 = vector.broadcast %broadcast_in_dim3A_145 : vector<512x1xf32> to vector<512x8xf32>
      %lt3A_163 = arith.cmpf olt, %convert_element_type3A_58, %lt3A_162 : vector<512x8xf32>
      %eq3A_164 = vector.broadcast %broadcast_in_dim3A_145 : vector<512x1xf32> to vector<512x8xf32>
      %eq3A_165 = arith.cmpf oeq, %convert_element_type3A_58, %eq3A_164 : vector<512x8xf32>
      %broadcast_in_dim3A_166 = vector.shape_cast %broadcast_in_dim3A_125 : vector<512x1xf32> to vector<512x1xf32>
      %broadcast_in_dim3A_167 = vector.broadcast %broadcast_in_dim3A_166 : vector<512x1xf32> to vector<512x8xf32>
      %select_n3A_168 = arith.select %eq3A_165, %broadcast_in_dim3A_167, %concatenate3A_150 : vector<512x8xi1>, vector<512x8xf32>
      %select_n3A_169 = arith.select %lt3A_163, %get3A_131, %select_n3A_168 : vector<512x8xi1>, vector<512x8xf32>
      %swap3A_170 = arith.constant 0 : index
      %swap3A_171 = arith.constant 0 : index
      %swap3A_172 = vector.load %arg12[%swap3A_170, %swap3A_171] : memref<512x8xf32, #tpu.memory_space<vmem>>, vector<512x8xf32>
      tpu.vector_store %arg12[%swap3A_170, %swap3A_171], %select_n3A_169 {strides = array<i32>} : memref<512x8xf32, #tpu.memory_space<vmem>>, vector<512x8xf32>,
      %eq3A_173 = vector.broadcast %broadcast_in_dim3A_125 : vector<512x1xf32> to vector<512x1024xf32>
      %eq3A_174 = arith.cmpf oeq, %get3A_116, %eq3A_173 : vector<512x1024xf32>
      %get3A_175 = arith.constant 0 : index
      %get3A_176 = arith.constant 0 : index
      %get3A_177 = vector.load %arg9[%get3A_175, %get3A_176] : memref<512x1024xf32, #tpu.memory_space<vmem>>, vector<512x1024xf32>
      %select_n3A_178 = arith.select %eq3A_174, %get3A_177, %get3A_113 : vector<512x1024xi1>, vector<512x1024xf32>
      %swap3A_179 = arith.constant 0 : index
      %swap3A_180 = arith.constant 0 : index
      %swap3A_181 = vector.load %arg7[%swap3A_179, %swap3A_180] : memref<512x1024xf32, #tpu.memory_space<vmem>>, vector<512x1024xf32>
      tpu.vector_store %arg7[%swap3A_179, %swap3A_180], %select_n3A_178 {strides = array<i32>} : memref<512x1024xf32, #tpu.memory_space<vmem>>, vector<512x1024xf32>,
      %get3A_182 = arith.constant 0 : index
      %get3A_183 = arith.constant 0 : index
      %get3A_184 = vector.load %arg10[%get3A_182, %get3A_183] : memref<512x1024xf32, #tpu.memory_space<vmem>>, vector<512x1024xf32>
      %select_n3A_185 = arith.select %eq3A_174, %get3A_184, %get3A_116 : vector<512x1024xi1>, vector<512x1024xf32>
      %swap3A_186 = arith.constant 0 : index
      %swap3A_187 = arith.constant 0 : index
      %swap3A_188 = vector.load %arg8[%swap3A_186, %swap3A_187] : memref<512x1024xf32, #tpu.memory_space<vmem>>, vector<512x1024xf32>
      tpu.vector_store %arg8[%swap3A_186, %swap3A_187], %select_n3A_185 {strides = array<i32>} : memref<512x1024xf32, #tpu.memory_space<vmem>>, vector<512x1024xf32>,
      %get3A_189 = arith.constant 0 : index
      %get3A_190 = arith.constant 0 : index
      %get3A_191 = vector.load %arg9[%get3A_189, %get3A_190] : memref<512x1024xf32, #tpu.memory_space<vmem>>, vector<512x1024xf32>
      %jit3A_192 = arith.constant 0x7F800000 : f32
      %broadcast_in_dim3A_193 = vector.broadcast %jit3A_192 : f32 to vector<512x1024xf32>
      %select_n3A_194 = arith.select %eq3A_174, %broadcast_in_dim3A_193, %get3A_191 : vector<512x1024xi1>, vector<512x1024xf32>
      %swap3A_195 = arith.constant 0 : index
      %swap3A_196 = arith.constant 0 : index
      %swap3A_197 = vector.load %arg9[%swap3A_195, %swap3A_196] : memref<512x1024xf32, #tpu.memory_space<vmem>>, vector<512x1024xf32>
      tpu.vector_store %arg9[%swap3A_195, %swap3A_196], %select_n3A_194 {strides = array<i32>} : memref<512x1024xf32, #tpu.memory_space<vmem>>, vector<512x1024xf32>,
    } else {
    }
    %gt3A_76 = arith.constant 3.000000e+00 : f32
    %gt3A_77 = arith.cmpf ogt, %min3A_30, %gt3A_76 : f32
    %convert_element_type3A_78 = arith.extui %gt3A_77 : i1 to i32
    %cond3A_79 = arith.constant 1.000000e+09 : f32
    %cond3A_80 = arith.constant 0 : i32
    %cond3A_81 = arith.cmpi ne, %convert_element_type3A_78, %cond3A_80 : i32
    scf.if %cond3A_81 {
      %get3A_111 = arith.constant 0 : index
      %get3A_112 = arith.constant 0 : index
      %get3A_113 = vector.load %arg7[%get3A_111, %get3A_112] : memref<512x1024xf32, #tpu.memory_space<vmem>>, vector<512x1024xf32>
      %get3A_114 = arith.constant 0 : index
      %get3A_115 = arith.constant 0 : index
      %get3A_116 = vector.load %arg8[%get3A_114, %get3A_115] : memref<512x1024xf32, #tpu.memory_space<vmem>>, vector<512x1024xf32>
      %reduce_min3A = arith.constant dense<0x7F800000> : vector<512xf32>
      %reduce_min3A_117 = vector.multi_reduction <minimumf>, %get3A_113, %reduce_min3A [1] : vector<512x1024xf32> to vector<512xf32>
      %broadcast_in_dim3A_118 = vector.shape_cast %reduce_min3A_117 : vector<512xf32> to vector<512x1xf32>
      %eq3A_119 = vector.broadcast %broadcast_in_dim3A_118 : vector<512x1xf32> to vector<512x1024xf32>
      %eq3A_120 = arith.cmpf oeq, %get3A_113, %eq3A_119 : vector<512x1024xf32>
      %broadcast_in_dim3A_121 = vector.broadcast %cond3A_79 : f32 to vector<512x1024xf32>
      %select_n3A_122 = arith.select %eq3A_120, %get3A_116, %broadcast_in_dim3A_121 : vector<512x1024xi1>, vector<512x1024xf32>
      %reduce_min3A_123 = arith.constant dense<0x7F800000> : vector<512xf32>
      %reduce_min3A_124 = vector.multi_reduction <minimumf>, %select_n3A_122, %reduce_min3A_123 [1] : vector<512x1024xf32> to vector<512xf32>
      %broadcast_in_dim3A_125 = vector.shape_cast %reduce_min3A_124 : vector<512xf32> to vector<512x1xf32>
      %get3A_126 = arith.constant 0 : index
      %get3A_127 = arith.constant 0 : index
      %get3A_128 = vector.load %arg11[%get3A_126, %get3A_127] : memref<512x8xf32, #tpu.memory_space<vmem>>, vector<512x8xf32>
      %get3A_129 = arith.constant 0 : index
      %get3A_130 = arith.constant 0 : index
      %get3A_131 = vector.load %arg12[%get3A_129, %get3A_130] : memref<512x8xf32, #tpu.memory_space<vmem>>, vector<512x8xf32>
      %lt3A_132 = vector.broadcast %broadcast_in_dim3A_118 : vector<512x1xf32> to vector<512x8xf32>
      %lt3A_133 = arith.cmpf olt, %get3A_128, %lt3A_132 : vector<512x8xf32>
      %eq3A_134 = vector.broadcast %broadcast_in_dim3A_118 : vector<512x1xf32> to vector<512x8xf32>
      %eq3A_135 = arith.cmpf oeq, %get3A_128, %eq3A_134 : vector<512x8xf32>
      %lt3A_136 = vector.broadcast %broadcast_in_dim3A_125 : vector<512x1xf32> to vector<512x8xf32>
      %lt3A_137 = arith.cmpf olt, %get3A_131, %lt3A_136 : vector<512x8xf32>
      %and3A = arith.andi %eq3A_135, %lt3A_137 : vector<512x8xi1>
      %or3A = arith.ori %lt3A_133, %and3A : vector<512x8xi1>
      %jit3A_138 = arith.constant 1.000000e+00 : f32
      %jit3A_139 = arith.constant 0.000000e+00 : f32
      %broadcast_in_dim3A_140 = vector.broadcast %jit3A_138 : f32 to vector<512x8xf32>
      %broadcast_in_dim3A_141 = vector.broadcast %jit3A_139 : f32 to vector<512x8xf32>
      %select_n3A_142 = arith.select %or3A, %broadcast_in_dim3A_140, %broadcast_in_dim3A_141 : vector<512x8xi1>, vector<512x8xf32>
      %reduce_sum3A_143 = arith.constant dense<0.000000e+00> : vector<512xf32>
      %reduce_sum3A_144 = vector.multi_reduction <add>, %select_n3A_142, %reduce_sum3A_143 [1] : vector<512x8xf32> to vector<512xf32>
      %broadcast_in_dim3A_145 = vector.shape_cast %reduce_sum3A_144 : vector<512xf32> to vector<512x1xf32>
      %slice3A_146 = vector.extract_strided_slice %get3A_128 {offsets = [0, 0], sizes = [512, 1], strides = [1, 1]} : vector<512x8xf32> to vector<512x1xf32>
      %slice3A_147 = vector.extract_strided_slice %get3A_128 {offsets = [0, 0], sizes = [512, 7], strides = [1, 1]} : vector<512x8xf32> to vector<512x7xf32>
      %concatenate3A = tpu.concatenate %slice3A_146, %slice3A_147 in 1 : vector<512x1xf32>, vector<512x7xf32> -> vector<512x8xf32>
      %slice3A_148 = vector.extract_strided_slice %get3A_131 {offsets = [0, 0], sizes = [512, 1], strides = [1, 1]} : vector<512x8xf32> to vector<512x1xf32>
      %slice3A_149 = vector.extract_strided_slice %get3A_131 {offsets = [0, 0], sizes = [512, 7], strides = [1, 1]} : vector<512x8xf32> to vector<512x7xf32>
      %concatenate3A_150 = tpu.concatenate %slice3A_148, %slice3A_149 in 1 : vector<512x1xf32>, vector<512x7xf32> -> vector<512x8xf32>
      %lt3A_151 = vector.broadcast %broadcast_in_dim3A_145 : vector<512x1xf32> to vector<512x8xf32>
      %lt3A_152 = arith.cmpf olt, %convert_element_type3A_58, %lt3A_151 : vector<512x8xf32>
      %eq3A_153 = vector.broadcast %broadcast_in_dim3A_145 : vector<512x1xf32> to vector<512x8xf32>
      %eq3A_154 = arith.cmpf oeq, %convert_element_type3A_58, %eq3A_153 : vector<512x8xf32>
      %broadcast_in_dim3A_155 = vector.shape_cast %broadcast_in_dim3A_118 : vector<512x1xf32> to vector<512x1xf32>
      %broadcast_in_dim3A_156 = vector.broadcast %broadcast_in_dim3A_155 : vector<512x1xf32> to vector<512x8xf32>
      %select_n3A_157 = arith.select %eq3A_154, %broadcast_in_dim3A_156, %concatenate3A : vector<512x8xi1>, vector<512x8xf32>
      %select_n3A_158 = arith.select %lt3A_152, %get3A_128, %select_n3A_157 : vector<512x8xi1>, vector<512x8xf32>
      %swap3A_159 = arith.constant 0 : index
      %swap3A_160 = arith.constant 0 : index
      %swap3A_161 = vector.load %arg11[%swap3A_159, %swap3A_160] : memref<512x8xf32, #tpu.memory_space<vmem>>, vector<512x8xf32>
      tpu.vector_store %arg11[%swap3A_159, %swap3A_160], %select_n3A_158 {strides = array<i32>} : memref<512x8xf32, #tpu.memory_space<vmem>>, vector<512x8xf32>,
      %lt3A_162 = vector.broadcast %broadcast_in_dim3A_145 : vector<512x1xf32> to vector<512x8xf32>
      %lt3A_163 = arith.cmpf olt, %convert_element_type3A_58, %lt3A_162 : vector<512x8xf32>
      %eq3A_164 = vector.broadcast %broadcast_in_dim3A_145 : vector<512x1xf32> to vector<512x8xf32>
      %eq3A_165 = arith.cmpf oeq, %convert_element_type3A_58, %eq3A_164 : vector<512x8xf32>
      %broadcast_in_dim3A_166 = vector.shape_cast %broadcast_in_dim3A_125 : vector<512x1xf32> to vector<512x1xf32>
      %broadcast_in_dim3A_167 = vector.broadcast %broadcast_in_dim3A_166 : vector<512x1xf32> to vector<512x8xf32>
      %select_n3A_168 = arith.select %eq3A_165, %broadcast_in_dim3A_167, %concatenate3A_150 : vector<512x8xi1>, vector<512x8xf32>
      %select_n3A_169 = arith.select %lt3A_163, %get3A_131, %select_n3A_168 : vector<512x8xi1>, vector<512x8xf32>
      %swap3A_170 = arith.constant 0 : index
      %swap3A_171 = arith.constant 0 : index
      %swap3A_172 = vector.load %arg12[%swap3A_170, %swap3A_171] : memref<512x8xf32, #tpu.memory_space<vmem>>, vector<512x8xf32>
      tpu.vector_store %arg12[%swap3A_170, %swap3A_171], %select_n3A_169 {strides = array<i32>} : memref<512x8xf32, #tpu.memory_space<vmem>>, vector<512x8xf32>,
      %eq3A_173 = vector.broadcast %broadcast_in_dim3A_125 : vector<512x1xf32> to vector<512x1024xf32>
      %eq3A_174 = arith.cmpf oeq, %get3A_116, %eq3A_173 : vector<512x1024xf32>
      %get3A_175 = arith.constant 0 : index
      %get3A_176 = arith.constant 0 : index
      %get3A_177 = vector.load %arg9[%get3A_175, %get3A_176] : memref<512x1024xf32, #tpu.memory_space<vmem>>, vector<512x1024xf32>
      %select_n3A_178 = arith.select %eq3A_174, %get3A_177, %get3A_113 : vector<512x1024xi1>, vector<512x1024xf32>
      %swap3A_179 = arith.constant 0 : index
      %swap3A_180 = arith.constant 0 : index
      %swap3A_181 = vector.load %arg7[%swap3A_179, %swap3A_180] : memref<512x1024xf32, #tpu.memory_space<vmem>>, vector<512x1024xf32>
      tpu.vector_store %arg7[%swap3A_179, %swap3A_180], %select_n3A_178 {strides = array<i32>} : memref<512x1024xf32, #tpu.memory_space<vmem>>, vector<512x1024xf32>,
      %get3A_182 = arith.constant 0 : index
      %get3A_183 = arith.constant 0 : index
      %get3A_184 = vector.load %arg10[%get3A_182, %get3A_183] : memref<512x1024xf32, #tpu.memory_space<vmem>>, vector<512x1024xf32>
      %select_n3A_185 = arith.select %eq3A_174, %get3A_184, %get3A_116 : vector<512x1024xi1>, vector<512x1024xf32>
      %swap3A_186 = arith.constant 0 : index
      %swap3A_187 = arith.constant 0 : index
      %swap3A_188 = vector.load %arg8[%swap3A_186, %swap3A_187] : memref<512x1024xf32, #tpu.memory_space<vmem>>, vector<512x1024xf32>
      tpu.vector_store %arg8[%swap3A_186, %swap3A_187], %select_n3A_185 {strides = array<i32>} : memref<512x1024xf32, #tpu.memory_space<vmem>>, vector<512x1024xf32>,
      %get3A_189 = arith.constant 0 : index
      %get3A_190 = arith.constant 0 : index
      %get3A_191 = vector.load %arg9[%get3A_189, %get3A_190] : memref<512x1024xf32, #tpu.memory_space<vmem>>, vector<512x1024xf32>
      %jit3A_192 = arith.constant 0x7F800000 : f32
      %broadcast_in_dim3A_193 = vector.broadcast %jit3A_192 : f32 to vector<512x1024xf32>
      %select_n3A_194 = arith.select %eq3A_174, %broadcast_in_dim3A_193, %get3A_191 : vector<512x1024xi1>, vector<512x1024xf32>
      %swap3A_195 = arith.constant 0 : index
      %swap3A_196 = arith.constant 0 : index
      %swap3A_197 = vector.load %arg9[%swap3A_195, %swap3A_196] : memref<512x1024xf32, #tpu.memory_space<vmem>>, vector<512x1024xf32>
      tpu.vector_store %arg9[%swap3A_195, %swap3A_196], %select_n3A_194 {strides = array<i32>} : memref<512x1024xf32, #tpu.memory_space<vmem>>, vector<512x1024xf32>,
    } else {
    }
    %gt3A_82 = arith.constant 4.000000e+00 : f32
    %gt3A_83 = arith.cmpf ogt, %min3A_30, %gt3A_82 : f32
    %convert_element_type3A_84 = arith.extui %gt3A_83 : i1 to i32
    %cond3A_85 = arith.constant 1.000000e+09 : f32
    %cond3A_86 = arith.constant 0 : i32
    %cond3A_87 = arith.cmpi ne, %convert_element_type3A_84, %cond3A_86 : i32
    scf.if %cond3A_87 {
      %get3A_111 = arith.constant 0 : index
      %get3A_112 = arith.constant 0 : index
      %get3A_113 = vector.load %arg7[%get3A_111, %get3A_112] : memref<512x1024xf32, #tpu.memory_space<vmem>>, vector<512x1024xf32>
      %get3A_114 = arith.constant 0 : index
      %get3A_115 = arith.constant 0 : index
      %get3A_116 = vector.load %arg8[%get3A_114, %get3A_115] : memref<512x1024xf32, #tpu.memory_space<vmem>>, vector<512x1024xf32>
      %reduce_min3A = arith.constant dense<0x7F800000> : vector<512xf32>
      %reduce_min3A_117 = vector.multi_reduction <minimumf>, %get3A_113, %reduce_min3A [1] : vector<512x1024xf32> to vector<512xf32>
      %broadcast_in_dim3A_118 = vector.shape_cast %reduce_min3A_117 : vector<512xf32> to vector<512x1xf32>
      %eq3A_119 = vector.broadcast %broadcast_in_dim3A_118 : vector<512x1xf32> to vector<512x1024xf32>
      %eq3A_120 = arith.cmpf oeq, %get3A_113, %eq3A_119 : vector<512x1024xf32>
      %broadcast_in_dim3A_121 = vector.broadcast %cond3A_85 : f32 to vector<512x1024xf32>
      %select_n3A_122 = arith.select %eq3A_120, %get3A_116, %broadcast_in_dim3A_121 : vector<512x1024xi1>, vector<512x1024xf32>
      %reduce_min3A_123 = arith.constant dense<0x7F800000> : vector<512xf32>
      %reduce_min3A_124 = vector.multi_reduction <minimumf>, %select_n3A_122, %reduce_min3A_123 [1] : vector<512x1024xf32> to vector<512xf32>
      %broadcast_in_dim3A_125 = vector.shape_cast %reduce_min3A_124 : vector<512xf32> to vector<512x1xf32>
      %get3A_126 = arith.constant 0 : index
      %get3A_127 = arith.constant 0 : index
      %get3A_128 = vector.load %arg11[%get3A_126, %get3A_127] : memref<512x8xf32, #tpu.memory_space<vmem>>, vector<512x8xf32>
      %get3A_129 = arith.constant 0 : index
      %get3A_130 = arith.constant 0 : index
      %get3A_131 = vector.load %arg12[%get3A_129, %get3A_130] : memref<512x8xf32, #tpu.memory_space<vmem>>, vector<512x8xf32>
      %lt3A_132 = vector.broadcast %broadcast_in_dim3A_118 : vector<512x1xf32> to vector<512x8xf32>
      %lt3A_133 = arith.cmpf olt, %get3A_128, %lt3A_132 : vector<512x8xf32>
      %eq3A_134 = vector.broadcast %broadcast_in_dim3A_118 : vector<512x1xf32> to vector<512x8xf32>
      %eq3A_135 = arith.cmpf oeq, %get3A_128, %eq3A_134 : vector<512x8xf32>
      %lt3A_136 = vector.broadcast %broadcast_in_dim3A_125 : vector<512x1xf32> to vector<512x8xf32>
      %lt3A_137 = arith.cmpf olt, %get3A_131, %lt3A_136 : vector<512x8xf32>
      %and3A = arith.andi %eq3A_135, %lt3A_137 : vector<512x8xi1>
      %or3A = arith.ori %lt3A_133, %and3A : vector<512x8xi1>
      %jit3A_138 = arith.constant 1.000000e+00 : f32
      %jit3A_139 = arith.constant 0.000000e+00 : f32
      %broadcast_in_dim3A_140 = vector.broadcast %jit3A_138 : f32 to vector<512x8xf32>
      %broadcast_in_dim3A_141 = vector.broadcast %jit3A_139 : f32 to vector<512x8xf32>
      %select_n3A_142 = arith.select %or3A, %broadcast_in_dim3A_140, %broadcast_in_dim3A_141 : vector<512x8xi1>, vector<512x8xf32>
      %reduce_sum3A_143 = arith.constant dense<0.000000e+00> : vector<512xf32>
      %reduce_sum3A_144 = vector.multi_reduction <add>, %select_n3A_142, %reduce_sum3A_143 [1] : vector<512x8xf32> to vector<512xf32>
      %broadcast_in_dim3A_145 = vector.shape_cast %reduce_sum3A_144 : vector<512xf32> to vector<512x1xf32>
      %slice3A_146 = vector.extract_strided_slice %get3A_128 {offsets = [0, 0], sizes = [512, 1], strides = [1, 1]} : vector<512x8xf32> to vector<512x1xf32>
      %slice3A_147 = vector.extract_strided_slice %get3A_128 {offsets = [0, 0], sizes = [512, 7], strides = [1, 1]} : vector<512x8xf32> to vector<512x7xf32>
      %concatenate3A = tpu.concatenate %slice3A_146, %slice3A_147 in 1 : vector<512x1xf32>, vector<512x7xf32> -> vector<512x8xf32>
      %slice3A_148 = vector.extract_strided_slice %get3A_131 {offsets = [0, 0], sizes = [512, 1], strides = [1, 1]} : vector<512x8xf32> to vector<512x1xf32>
      %slice3A_149 = vector.extract_strided_slice %get3A_131 {offsets = [0, 0], sizes = [512, 7], strides = [1, 1]} : vector<512x8xf32> to vector<512x7xf32>
      %concatenate3A_150 = tpu.concatenate %slice3A_148, %slice3A_149 in 1 : vector<512x1xf32>, vector<512x7xf32> -> vector<512x8xf32>
      %lt3A_151 = vector.broadcast %broadcast_in_dim3A_145 : vector<512x1xf32> to vector<512x8xf32>
      %lt3A_152 = arith.cmpf olt, %convert_element_type3A_58, %lt3A_151 : vector<512x8xf32>
      %eq3A_153 = vector.broadcast %broadcast_in_dim3A_145 : vector<512x1xf32> to vector<512x8xf32>
      %eq3A_154 = arith.cmpf oeq, %convert_element_type3A_58, %eq3A_153 : vector<512x8xf32>
      %broadcast_in_dim3A_155 = vector.shape_cast %broadcast_in_dim3A_118 : vector<512x1xf32> to vector<512x1xf32>
      %broadcast_in_dim3A_156 = vector.broadcast %broadcast_in_dim3A_155 : vector<512x1xf32> to vector<512x8xf32>
      %select_n3A_157 = arith.select %eq3A_154, %broadcast_in_dim3A_156, %concatenate3A : vector<512x8xi1>, vector<512x8xf32>
      %select_n3A_158 = arith.select %lt3A_152, %get3A_128, %select_n3A_157 : vector<512x8xi1>, vector<512x8xf32>
      %swap3A_159 = arith.constant 0 : index
      %swap3A_160 = arith.constant 0 : index
      %swap3A_161 = vector.load %arg11[%swap3A_159, %swap3A_160] : memref<512x8xf32, #tpu.memory_space<vmem>>, vector<512x8xf32>
      tpu.vector_store %arg11[%swap3A_159, %swap3A_160], %select_n3A_158 {strides = array<i32>} : memref<512x8xf32, #tpu.memory_space<vmem>>, vector<512x8xf32>,
      %lt3A_162 = vector.broadcast %broadcast_in_dim3A_145 : vector<512x1xf32> to vector<512x8xf32>
      %lt3A_163 = arith.cmpf olt, %convert_element_type3A_58, %lt3A_162 : vector<512x8xf32>
      %eq3A_164 = vector.broadcast %broadcast_in_dim3A_145 : vector<512x1xf32> to vector<512x8xf32>
      %eq3A_165 = arith.cmpf oeq, %convert_element_type3A_58, %eq3A_164 : vector<512x8xf32>
      %broadcast_in_dim3A_166 = vector.shape_cast %broadcast_in_dim3A_125 : vector<512x1xf32> to vector<512x1xf32>
      %broadcast_in_dim3A_167 = vector.broadcast %broadcast_in_dim3A_166 : vector<512x1xf32> to vector<512x8xf32>
      %select_n3A_168 = arith.select %eq3A_165, %broadcast_in_dim3A_167, %concatenate3A_150 : vector<512x8xi1>, vector<512x8xf32>
      %select_n3A_169 = arith.select %lt3A_163, %get3A_131, %select_n3A_168 : vector<512x8xi1>, vector<512x8xf32>
      %swap3A_170 = arith.constant 0 : index
      %swap3A_171 = arith.constant 0 : index
      %swap3A_172 = vector.load %arg12[%swap3A_170, %swap3A_171] : memref<512x8xf32, #tpu.memory_space<vmem>>, vector<512x8xf32>
      tpu.vector_store %arg12[%swap3A_170, %swap3A_171], %select_n3A_169 {strides = array<i32>} : memref<512x8xf32, #tpu.memory_space<vmem>>, vector<512x8xf32>,
      %eq3A_173 = vector.broadcast %broadcast_in_dim3A_125 : vector<512x1xf32> to vector<512x1024xf32>
      %eq3A_174 = arith.cmpf oeq, %get3A_116, %eq3A_173 : vector<512x1024xf32>
      %get3A_175 = arith.constant 0 : index
      %get3A_176 = arith.constant 0 : index
      %get3A_177 = vector.load %arg9[%get3A_175, %get3A_176] : memref<512x1024xf32, #tpu.memory_space<vmem>>, vector<512x1024xf32>
      %select_n3A_178 = arith.select %eq3A_174, %get3A_177, %get3A_113 : vector<512x1024xi1>, vector<512x1024xf32>
      %swap3A_179 = arith.constant 0 : index
      %swap3A_180 = arith.constant 0 : index
      %swap3A_181 = vector.load %arg7[%swap3A_179, %swap3A_180] : memref<512x1024xf32, #tpu.memory_space<vmem>>, vector<512x1024xf32>
      tpu.vector_store %arg7[%swap3A_179, %swap3A_180], %select_n3A_178 {strides = array<i32>} : memref<512x1024xf32, #tpu.memory_space<vmem>>, vector<512x1024xf32>,
      %get3A_182 = arith.constant 0 : index
      %get3A_183 = arith.constant 0 : index
      %get3A_184 = vector.load %arg10[%get3A_182, %get3A_183] : memref<512x1024xf32, #tpu.memory_space<vmem>>, vector<512x1024xf32>
      %select_n3A_185 = arith.select %eq3A_174, %get3A_184, %get3A_116 : vector<512x1024xi1>, vector<512x1024xf32>
      %swap3A_186 = arith.constant 0 : index
      %swap3A_187 = arith.constant 0 : index
      %swap3A_188 = vector.load %arg8[%swap3A_186, %swap3A_187] : memref<512x1024xf32, #tpu.memory_space<vmem>>, vector<512x1024xf32>
      tpu.vector_store %arg8[%swap3A_186, %swap3A_187], %select_n3A_185 {strides = array<i32>} : memref<512x1024xf32, #tpu.memory_space<vmem>>, vector<512x1024xf32>,
      %get3A_189 = arith.constant 0 : index
      %get3A_190 = arith.constant 0 : index
      %get3A_191 = vector.load %arg9[%get3A_189, %get3A_190] : memref<512x1024xf32, #tpu.memory_space<vmem>>, vector<512x1024xf32>
      %jit3A_192 = arith.constant 0x7F800000 : f32
      %broadcast_in_dim3A_193 = vector.broadcast %jit3A_192 : f32 to vector<512x1024xf32>
      %select_n3A_194 = arith.select %eq3A_174, %broadcast_in_dim3A_193, %get3A_191 : vector<512x1024xi1>, vector<512x1024xf32>
      %swap3A_195 = arith.constant 0 : index
      %swap3A_196 = arith.constant 0 : index
      %swap3A_197 = vector.load %arg9[%swap3A_195, %swap3A_196] : memref<512x1024xf32, #tpu.memory_space<vmem>>, vector<512x1024xf32>
      tpu.vector_store %arg9[%swap3A_195, %swap3A_196], %select_n3A_194 {strides = array<i32>} : memref<512x1024xf32, #tpu.memory_space<vmem>>, vector<512x1024xf32>,
    } else {
    }
    %gt3A_88 = arith.constant 5.000000e+00 : f32
    %gt3A_89 = arith.cmpf ogt, %min3A_30, %gt3A_88 : f32
    %convert_element_type3A_90 = arith.extui %gt3A_89 : i1 to i32
    %cond3A_91 = arith.constant 1.000000e+09 : f32
    %cond3A_92 = arith.constant 0 : i32
    %cond3A_93 = arith.cmpi ne, %convert_element_type3A_90, %cond3A_92 : i32
    scf.if %cond3A_93 {
      %get3A_111 = arith.constant 0 : index
      %get3A_112 = arith.constant 0 : index
      %get3A_113 = vector.load %arg7[%get3A_111, %get3A_112] : memref<512x1024xf32, #tpu.memory_space<vmem>>, vector<512x1024xf32>
      %get3A_114 = arith.constant 0 : index
      %get3A_115 = arith.constant 0 : index
      %get3A_116 = vector.load %arg8[%get3A_114, %get3A_115] : memref<512x1024xf32, #tpu.memory_space<vmem>>, vector<512x1024xf32>
      %reduce_min3A = arith.constant dense<0x7F800000> : vector<512xf32>
      %reduce_min3A_117 = vector.multi_reduction <minimumf>, %get3A_113, %reduce_min3A [1] : vector<512x1024xf32> to vector<512xf32>
      %broadcast_in_dim3A_118 = vector.shape_cast %reduce_min3A_117 : vector<512xf32> to vector<512x1xf32>
      %eq3A_119 = vector.broadcast %broadcast_in_dim3A_118 : vector<512x1xf32> to vector<512x1024xf32>
      %eq3A_120 = arith.cmpf oeq, %get3A_113, %eq3A_119 : vector<512x1024xf32>
      %broadcast_in_dim3A_121 = vector.broadcast %cond3A_91 : f32 to vector<512x1024xf32>
      %select_n3A_122 = arith.select %eq3A_120, %get3A_116, %broadcast_in_dim3A_121 : vector<512x1024xi1>, vector<512x1024xf32>
      %reduce_min3A_123 = arith.constant dense<0x7F800000> : vector<512xf32>
      %reduce_min3A_124 = vector.multi_reduction <minimumf>, %select_n3A_122, %reduce_min3A_123 [1] : vector<512x1024xf32> to vector<512xf32>
      %broadcast_in_dim3A_125 = vector.shape_cast %reduce_min3A_124 : vector<512xf32> to vector<512x1xf32>
      %get3A_126 = arith.constant 0 : index
      %get3A_127 = arith.constant 0 : index
      %get3A_128 = vector.load %arg11[%get3A_126, %get3A_127] : memref<512x8xf32, #tpu.memory_space<vmem>>, vector<512x8xf32>
      %get3A_129 = arith.constant 0 : index
      %get3A_130 = arith.constant 0 : index
      %get3A_131 = vector.load %arg12[%get3A_129, %get3A_130] : memref<512x8xf32, #tpu.memory_space<vmem>>, vector<512x8xf32>
      %lt3A_132 = vector.broadcast %broadcast_in_dim3A_118 : vector<512x1xf32> to vector<512x8xf32>
      %lt3A_133 = arith.cmpf olt, %get3A_128, %lt3A_132 : vector<512x8xf32>
      %eq3A_134 = vector.broadcast %broadcast_in_dim3A_118 : vector<512x1xf32> to vector<512x8xf32>
      %eq3A_135 = arith.cmpf oeq, %get3A_128, %eq3A_134 : vector<512x8xf32>
      %lt3A_136 = vector.broadcast %broadcast_in_dim3A_125 : vector<512x1xf32> to vector<512x8xf32>
      %lt3A_137 = arith.cmpf olt, %get3A_131, %lt3A_136 : vector<512x8xf32>
      %and3A = arith.andi %eq3A_135, %lt3A_137 : vector<512x8xi1>
      %or3A = arith.ori %lt3A_133, %and3A : vector<512x8xi1>
      %jit3A_138 = arith.constant 1.000000e+00 : f32
      %jit3A_139 = arith.constant 0.000000e+00 : f32
      %broadcast_in_dim3A_140 = vector.broadcast %jit3A_138 : f32 to vector<512x8xf32>
      %broadcast_in_dim3A_141 = vector.broadcast %jit3A_139 : f32 to vector<512x8xf32>
      %select_n3A_142 = arith.select %or3A, %broadcast_in_dim3A_140, %broadcast_in_dim3A_141 : vector<512x8xi1>, vector<512x8xf32>
      %reduce_sum3A_143 = arith.constant dense<0.000000e+00> : vector<512xf32>
      %reduce_sum3A_144 = vector.multi_reduction <add>, %select_n3A_142, %reduce_sum3A_143 [1] : vector<512x8xf32> to vector<512xf32>
      %broadcast_in_dim3A_145 = vector.shape_cast %reduce_sum3A_144 : vector<512xf32> to vector<512x1xf32>
      %slice3A_146 = vector.extract_strided_slice %get3A_128 {offsets = [0, 0], sizes = [512, 1], strides = [1, 1]} : vector<512x8xf32> to vector<512x1xf32>
      %slice3A_147 = vector.extract_strided_slice %get3A_128 {offsets = [0, 0], sizes = [512, 7], strides = [1, 1]} : vector<512x8xf32> to vector<512x7xf32>
      %concatenate3A = tpu.concatenate %slice3A_146, %slice3A_147 in 1 : vector<512x1xf32>, vector<512x7xf32> -> vector<512x8xf32>
      %slice3A_148 = vector.extract_strided_slice %get3A_131 {offsets = [0, 0], sizes = [512, 1], strides = [1, 1]} : vector<512x8xf32> to vector<512x1xf32>
      %slice3A_149 = vector.extract_strided_slice %get3A_131 {offsets = [0, 0], sizes = [512, 7], strides = [1, 1]} : vector<512x8xf32> to vector<512x7xf32>
      %concatenate3A_150 = tpu.concatenate %slice3A_148, %slice3A_149 in 1 : vector<512x1xf32>, vector<512x7xf32> -> vector<512x8xf32>
      %lt3A_151 = vector.broadcast %broadcast_in_dim3A_145 : vector<512x1xf32> to vector<512x8xf32>
      %lt3A_152 = arith.cmpf olt, %convert_element_type3A_58, %lt3A_151 : vector<512x8xf32>
      %eq3A_153 = vector.broadcast %broadcast_in_dim3A_145 : vector<512x1xf32> to vector<512x8xf32>
      %eq3A_154 = arith.cmpf oeq, %convert_element_type3A_58, %eq3A_153 : vector<512x8xf32>
      %broadcast_in_dim3A_155 = vector.shape_cast %broadcast_in_dim3A_118 : vector<512x1xf32> to vector<512x1xf32>
      %broadcast_in_dim3A_156 = vector.broadcast %broadcast_in_dim3A_155 : vector<512x1xf32> to vector<512x8xf32>
      %select_n3A_157 = arith.select %eq3A_154, %broadcast_in_dim3A_156, %concatenate3A : vector<512x8xi1>, vector<512x8xf32>
      %select_n3A_158 = arith.select %lt3A_152, %get3A_128, %select_n3A_157 : vector<512x8xi1>, vector<512x8xf32>
      %swap3A_159 = arith.constant 0 : index
      %swap3A_160 = arith.constant 0 : index
      %swap3A_161 = vector.load %arg11[%swap3A_159, %swap3A_160] : memref<512x8xf32, #tpu.memory_space<vmem>>, vector<512x8xf32>
      tpu.vector_store %arg11[%swap3A_159, %swap3A_160], %select_n3A_158 {strides = array<i32>} : memref<512x8xf32, #tpu.memory_space<vmem>>, vector<512x8xf32>,
      %lt3A_162 = vector.broadcast %broadcast_in_dim3A_145 : vector<512x1xf32> to vector<512x8xf32>
      %lt3A_163 = arith.cmpf olt, %convert_element_type3A_58, %lt3A_162 : vector<512x8xf32>
      %eq3A_164 = vector.broadcast %broadcast_in_dim3A_145 : vector<512x1xf32> to vector<512x8xf32>
      %eq3A_165 = arith.cmpf oeq, %convert_element_type3A_58, %eq3A_164 : vector<512x8xf32>
      %broadcast_in_dim3A_166 = vector.shape_cast %broadcast_in_dim3A_125 : vector<512x1xf32> to vector<512x1xf32>
      %broadcast_in_dim3A_167 = vector.broadcast %broadcast_in_dim3A_166 : vector<512x1xf32> to vector<512x8xf32>
      %select_n3A_168 = arith.select %eq3A_165, %broadcast_in_dim3A_167, %concatenate3A_150 : vector<512x8xi1>, vector<512x8xf32>
      %select_n3A_169 = arith.select %lt3A_163, %get3A_131, %select_n3A_168 : vector<512x8xi1>, vector<512x8xf32>
      %swap3A_170 = arith.constant 0 : index
      %swap3A_171 = arith.constant 0 : index
      %swap3A_172 = vector.load %arg12[%swap3A_170, %swap3A_171] : memref<512x8xf32, #tpu.memory_space<vmem>>, vector<512x8xf32>
      tpu.vector_store %arg12[%swap3A_170, %swap3A_171], %select_n3A_169 {strides = array<i32>} : memref<512x8xf32, #tpu.memory_space<vmem>>, vector<512x8xf32>,
      %eq3A_173 = vector.broadcast %broadcast_in_dim3A_125 : vector<512x1xf32> to vector<512x1024xf32>
      %eq3A_174 = arith.cmpf oeq, %get3A_116, %eq3A_173 : vector<512x1024xf32>
      %get3A_175 = arith.constant 0 : index
      %get3A_176 = arith.constant 0 : index
      %get3A_177 = vector.load %arg9[%get3A_175, %get3A_176] : memref<512x1024xf32, #tpu.memory_space<vmem>>, vector<512x1024xf32>
      %select_n3A_178 = arith.select %eq3A_174, %get3A_177, %get3A_113 : vector<512x1024xi1>, vector<512x1024xf32>
      %swap3A_179 = arith.constant 0 : index
      %swap3A_180 = arith.constant 0 : index
      %swap3A_181 = vector.load %arg7[%swap3A_179, %swap3A_180] : memref<512x1024xf32, #tpu.memory_space<vmem>>, vector<512x1024xf32>
      tpu.vector_store %arg7[%swap3A_179, %swap3A_180], %select_n3A_178 {strides = array<i32>} : memref<512x1024xf32, #tpu.memory_space<vmem>>, vector<512x1024xf32>,
      %get3A_182 = arith.constant 0 : index
      %get3A_183 = arith.constant 0 : index
      %get3A_184 = vector.load %arg10[%get3A_182, %get3A_183] : memref<512x1024xf32, #tpu.memory_space<vmem>>, vector<512x1024xf32>
      %select_n3A_185 = arith.select %eq3A_174, %get3A_184, %get3A_116 : vector<512x1024xi1>, vector<512x1024xf32>
      %swap3A_186 = arith.constant 0 : index
      %swap3A_187 = arith.constant 0 : index
      %swap3A_188 = vector.load %arg8[%swap3A_186, %swap3A_187] : memref<512x1024xf32, #tpu.memory_space<vmem>>, vector<512x1024xf32>
      tpu.vector_store %arg8[%swap3A_186, %swap3A_187], %select_n3A_185 {strides = array<i32>} : memref<512x1024xf32, #tpu.memory_space<vmem>>, vector<512x1024xf32>,
      %get3A_189 = arith.constant 0 : index
      %get3A_190 = arith.constant 0 : index
      %get3A_191 = vector.load %arg9[%get3A_189, %get3A_190] : memref<512x1024xf32, #tpu.memory_space<vmem>>, vector<512x1024xf32>
      %jit3A_192 = arith.constant 0x7F800000 : f32
      %broadcast_in_dim3A_193 = vector.broadcast %jit3A_192 : f32 to vector<512x1024xf32>
      %select_n3A_194 = arith.select %eq3A_174, %broadcast_in_dim3A_193, %get3A_191 : vector<512x1024xi1>, vector<512x1024xf32>
      %swap3A_195 = arith.constant 0 : index
      %swap3A_196 = arith.constant 0 : index
      %swap3A_197 = vector.load %arg9[%swap3A_195, %swap3A_196] : memref<512x1024xf32, #tpu.memory_space<vmem>>, vector<512x1024xf32>
      tpu.vector_store %arg9[%swap3A_195, %swap3A_196], %select_n3A_194 {strides = array<i32>} : memref<512x1024xf32, #tpu.memory_space<vmem>>, vector<512x1024xf32>,
    } else {
    }
    %gt3A_94 = arith.constant 6.000000e+00 : f32
    %gt3A_95 = arith.cmpf ogt, %min3A_30, %gt3A_94 : f32
    %convert_element_type3A_96 = arith.extui %gt3A_95 : i1 to i32
    %cond3A_97 = arith.constant 1.000000e+09 : f32
    %cond3A_98 = arith.constant 0 : i32
    %cond3A_99 = arith.cmpi ne, %convert_element_type3A_96, %cond3A_98 : i32
    scf.if %cond3A_99 {
      %get3A_111 = arith.constant 0 : index
      %get3A_112 = arith.constant 0 : index
      %get3A_113 = vector.load %arg7[%get3A_111, %get3A_112] : memref<512x1024xf32, #tpu.memory_space<vmem>>, vector<512x1024xf32>
      %get3A_114 = arith.constant 0 : index
      %get3A_115 = arith.constant 0 : index
      %get3A_116 = vector.load %arg8[%get3A_114, %get3A_115] : memref<512x1024xf32, #tpu.memory_space<vmem>>, vector<512x1024xf32>
      %reduce_min3A = arith.constant dense<0x7F800000> : vector<512xf32>
      %reduce_min3A_117 = vector.multi_reduction <minimumf>, %get3A_113, %reduce_min3A [1] : vector<512x1024xf32> to vector<512xf32>
      %broadcast_in_dim3A_118 = vector.shape_cast %reduce_min3A_117 : vector<512xf32> to vector<512x1xf32>
      %eq3A_119 = vector.broadcast %broadcast_in_dim3A_118 : vector<512x1xf32> to vector<512x1024xf32>
      %eq3A_120 = arith.cmpf oeq, %get3A_113, %eq3A_119 : vector<512x1024xf32>
      %broadcast_in_dim3A_121 = vector.broadcast %cond3A_97 : f32 to vector<512x1024xf32>
      %select_n3A_122 = arith.select %eq3A_120, %get3A_116, %broadcast_in_dim3A_121 : vector<512x1024xi1>, vector<512x1024xf32>
      %reduce_min3A_123 = arith.constant dense<0x7F800000> : vector<512xf32>
      %reduce_min3A_124 = vector.multi_reduction <minimumf>, %select_n3A_122, %reduce_min3A_123 [1] : vector<512x1024xf32> to vector<512xf32>
      %broadcast_in_dim3A_125 = vector.shape_cast %reduce_min3A_124 : vector<512xf32> to vector<512x1xf32>
      %get3A_126 = arith.constant 0 : index
      %get3A_127 = arith.constant 0 : index
      %get3A_128 = vector.load %arg11[%get3A_126, %get3A_127] : memref<512x8xf32, #tpu.memory_space<vmem>>, vector<512x8xf32>
      %get3A_129 = arith.constant 0 : index
      %get3A_130 = arith.constant 0 : index
      %get3A_131 = vector.load %arg12[%get3A_129, %get3A_130] : memref<512x8xf32, #tpu.memory_space<vmem>>, vector<512x8xf32>
      %lt3A_132 = vector.broadcast %broadcast_in_dim3A_118 : vector<512x1xf32> to vector<512x8xf32>
      %lt3A_133 = arith.cmpf olt, %get3A_128, %lt3A_132 : vector<512x8xf32>
      %eq3A_134 = vector.broadcast %broadcast_in_dim3A_118 : vector<512x1xf32> to vector<512x8xf32>
      %eq3A_135 = arith.cmpf oeq, %get3A_128, %eq3A_134 : vector<512x8xf32>
      %lt3A_136 = vector.broadcast %broadcast_in_dim3A_125 : vector<512x1xf32> to vector<512x8xf32>
      %lt3A_137 = arith.cmpf olt, %get3A_131, %lt3A_136 : vector<512x8xf32>
      %and3A = arith.andi %eq3A_135, %lt3A_137 : vector<512x8xi1>
      %or3A = arith.ori %lt3A_133, %and3A : vector<512x8xi1>
      %jit3A_138 = arith.constant 1.000000e+00 : f32
      %jit3A_139 = arith.constant 0.000000e+00 : f32
      %broadcast_in_dim3A_140 = vector.broadcast %jit3A_138 : f32 to vector<512x8xf32>
      %broadcast_in_dim3A_141 = vector.broadcast %jit3A_139 : f32 to vector<512x8xf32>
      %select_n3A_142 = arith.select %or3A, %broadcast_in_dim3A_140, %broadcast_in_dim3A_141 : vector<512x8xi1>, vector<512x8xf32>
      %reduce_sum3A_143 = arith.constant dense<0.000000e+00> : vector<512xf32>
      %reduce_sum3A_144 = vector.multi_reduction <add>, %select_n3A_142, %reduce_sum3A_143 [1] : vector<512x8xf32> to vector<512xf32>
      %broadcast_in_dim3A_145 = vector.shape_cast %reduce_sum3A_144 : vector<512xf32> to vector<512x1xf32>
      %slice3A_146 = vector.extract_strided_slice %get3A_128 {offsets = [0, 0], sizes = [512, 1], strides = [1, 1]} : vector<512x8xf32> to vector<512x1xf32>
      %slice3A_147 = vector.extract_strided_slice %get3A_128 {offsets = [0, 0], sizes = [512, 7], strides = [1, 1]} : vector<512x8xf32> to vector<512x7xf32>
      %concatenate3A = tpu.concatenate %slice3A_146, %slice3A_147 in 1 : vector<512x1xf32>, vector<512x7xf32> -> vector<512x8xf32>
      %slice3A_148 = vector.extract_strided_slice %get3A_131 {offsets = [0, 0], sizes = [512, 1], strides = [1, 1]} : vector<512x8xf32> to vector<512x1xf32>
      %slice3A_149 = vector.extract_strided_slice %get3A_131 {offsets = [0, 0], sizes = [512, 7], strides = [1, 1]} : vector<512x8xf32> to vector<512x7xf32>
      %concatenate3A_150 = tpu.concatenate %slice3A_148, %slice3A_149 in 1 : vector<512x1xf32>, vector<512x7xf32> -> vector<512x8xf32>
      %lt3A_151 = vector.broadcast %broadcast_in_dim3A_145 : vector<512x1xf32> to vector<512x8xf32>
      %lt3A_152 = arith.cmpf olt, %convert_element_type3A_58, %lt3A_151 : vector<512x8xf32>
      %eq3A_153 = vector.broadcast %broadcast_in_dim3A_145 : vector<512x1xf32> to vector<512x8xf32>
      %eq3A_154 = arith.cmpf oeq, %convert_element_type3A_58, %eq3A_153 : vector<512x8xf32>
      %broadcast_in_dim3A_155 = vector.shape_cast %broadcast_in_dim3A_118 : vector<512x1xf32> to vector<512x1xf32>
      %broadcast_in_dim3A_156 = vector.broadcast %broadcast_in_dim3A_155 : vector<512x1xf32> to vector<512x8xf32>
      %select_n3A_157 = arith.select %eq3A_154, %broadcast_in_dim3A_156, %concatenate3A : vector<512x8xi1>, vector<512x8xf32>
      %select_n3A_158 = arith.select %lt3A_152, %get3A_128, %select_n3A_157 : vector<512x8xi1>, vector<512x8xf32>
      %swap3A_159 = arith.constant 0 : index
      %swap3A_160 = arith.constant 0 : index
      %swap3A_161 = vector.load %arg11[%swap3A_159, %swap3A_160] : memref<512x8xf32, #tpu.memory_space<vmem>>, vector<512x8xf32>
      tpu.vector_store %arg11[%swap3A_159, %swap3A_160], %select_n3A_158 {strides = array<i32>} : memref<512x8xf32, #tpu.memory_space<vmem>>, vector<512x8xf32>,
      %lt3A_162 = vector.broadcast %broadcast_in_dim3A_145 : vector<512x1xf32> to vector<512x8xf32>
      %lt3A_163 = arith.cmpf olt, %convert_element_type3A_58, %lt3A_162 : vector<512x8xf32>
      %eq3A_164 = vector.broadcast %broadcast_in_dim3A_145 : vector<512x1xf32> to vector<512x8xf32>
      %eq3A_165 = arith.cmpf oeq, %convert_element_type3A_58, %eq3A_164 : vector<512x8xf32>
      %broadcast_in_dim3A_166 = vector.shape_cast %broadcast_in_dim3A_125 : vector<512x1xf32> to vector<512x1xf32>
      %broadcast_in_dim3A_167 = vector.broadcast %broadcast_in_dim3A_166 : vector<512x1xf32> to vector<512x8xf32>
      %select_n3A_168 = arith.select %eq3A_165, %broadcast_in_dim3A_167, %concatenate3A_150 : vector<512x8xi1>, vector<512x8xf32>
      %select_n3A_169 = arith.select %lt3A_163, %get3A_131, %select_n3A_168 : vector<512x8xi1>, vector<512x8xf32>
      %swap3A_170 = arith.constant 0 : index
      %swap3A_171 = arith.constant 0 : index
      %swap3A_172 = vector.load %arg12[%swap3A_170, %swap3A_171] : memref<512x8xf32, #tpu.memory_space<vmem>>, vector<512x8xf32>
      tpu.vector_store %arg12[%swap3A_170, %swap3A_171], %select_n3A_169 {strides = array<i32>} : memref<512x8xf32, #tpu.memory_space<vmem>>, vector<512x8xf32>,
      %eq3A_173 = vector.broadcast %broadcast_in_dim3A_125 : vector<512x1xf32> to vector<512x1024xf32>
      %eq3A_174 = arith.cmpf oeq, %get3A_116, %eq3A_173 : vector<512x1024xf32>
      %get3A_175 = arith.constant 0 : index
      %get3A_176 = arith.constant 0 : index
      %get3A_177 = vector.load %arg9[%get3A_175, %get3A_176] : memref<512x1024xf32, #tpu.memory_space<vmem>>, vector<512x1024xf32>
      %select_n3A_178 = arith.select %eq3A_174, %get3A_177, %get3A_113 : vector<512x1024xi1>, vector<512x1024xf32>
      %swap3A_179 = arith.constant 0 : index
      %swap3A_180 = arith.constant 0 : index
      %swap3A_181 = vector.load %arg7[%swap3A_179, %swap3A_180] : memref<512x1024xf32, #tpu.memory_space<vmem>>, vector<512x1024xf32>
      tpu.vector_store %arg7[%swap3A_179, %swap3A_180], %select_n3A_178 {strides = array<i32>} : memref<512x1024xf32, #tpu.memory_space<vmem>>, vector<512x1024xf32>,
      %get3A_182 = arith.constant 0 : index
      %get3A_183 = arith.constant 0 : index
      %get3A_184 = vector.load %arg10[%get3A_182, %get3A_183] : memref<512x1024xf32, #tpu.memory_space<vmem>>, vector<512x1024xf32>
      %select_n3A_185 = arith.select %eq3A_174, %get3A_184, %get3A_116 : vector<512x1024xi1>, vector<512x1024xf32>
      %swap3A_186 = arith.constant 0 : index
      %swap3A_187 = arith.constant 0 : index
      %swap3A_188 = vector.load %arg8[%swap3A_186, %swap3A_187] : memref<512x1024xf32, #tpu.memory_space<vmem>>, vector<512x1024xf32>
      tpu.vector_store %arg8[%swap3A_186, %swap3A_187], %select_n3A_185 {strides = array<i32>} : memref<512x1024xf32, #tpu.memory_space<vmem>>, vector<512x1024xf32>,
      %get3A_189 = arith.constant 0 : index
      %get3A_190 = arith.constant 0 : index
      %get3A_191 = vector.load %arg9[%get3A_189, %get3A_190] : memref<512x1024xf32, #tpu.memory_space<vmem>>, vector<512x1024xf32>
      %jit3A_192 = arith.constant 0x7F800000 : f32
      %broadcast_in_dim3A_193 = vector.broadcast %jit3A_192 : f32 to vector<512x1024xf32>
      %select_n3A_194 = arith.select %eq3A_174, %broadcast_in_dim3A_193, %get3A_191 : vector<512x1024xi1>, vector<512x1024xf32>
      %swap3A_195 = arith.constant 0 : index
      %swap3A_196 = arith.constant 0 : index
      %swap3A_197 = vector.load %arg9[%swap3A_195, %swap3A_196] : memref<512x1024xf32, #tpu.memory_space<vmem>>, vector<512x1024xf32>
      tpu.vector_store %arg9[%swap3A_195, %swap3A_196], %select_n3A_194 {strides = array<i32>} : memref<512x1024xf32, #tpu.memory_space<vmem>>, vector<512x1024xf32>,
    } else {
    }
    %gt3A_100 = arith.constant 7.000000e+00 : f32
    %gt3A_101 = arith.cmpf ogt, %min3A_30, %gt3A_100 : f32
    %convert_element_type3A_102 = arith.extui %gt3A_101 : i1 to i32
    %cond3A_103 = arith.constant 1.000000e+09 : f32
    %cond3A_104 = arith.constant 0 : i32
    %cond3A_105 = arith.cmpi ne, %convert_element_type3A_102, %cond3A_104 : i32
    scf.if %cond3A_105 {
      %get3A_111 = arith.constant 0 : index
      %get3A_112 = arith.constant 0 : index
      %get3A_113 = vector.load %arg7[%get3A_111, %get3A_112] : memref<512x1024xf32, #tpu.memory_space<vmem>>, vector<512x1024xf32>
      %get3A_114 = arith.constant 0 : index
      %get3A_115 = arith.constant 0 : index
      %get3A_116 = vector.load %arg8[%get3A_114, %get3A_115] : memref<512x1024xf32, #tpu.memory_space<vmem>>, vector<512x1024xf32>
      %reduce_min3A = arith.constant dense<0x7F800000> : vector<512xf32>
      %reduce_min3A_117 = vector.multi_reduction <minimumf>, %get3A_113, %reduce_min3A [1] : vector<512x1024xf32> to vector<512xf32>
      %broadcast_in_dim3A_118 = vector.shape_cast %reduce_min3A_117 : vector<512xf32> to vector<512x1xf32>
      %eq3A_119 = vector.broadcast %broadcast_in_dim3A_118 : vector<512x1xf32> to vector<512x1024xf32>
      %eq3A_120 = arith.cmpf oeq, %get3A_113, %eq3A_119 : vector<512x1024xf32>
      %broadcast_in_dim3A_121 = vector.broadcast %cond3A_103 : f32 to vector<512x1024xf32>
      %select_n3A_122 = arith.select %eq3A_120, %get3A_116, %broadcast_in_dim3A_121 : vector<512x1024xi1>, vector<512x1024xf32>
      %reduce_min3A_123 = arith.constant dense<0x7F800000> : vector<512xf32>
      %reduce_min3A_124 = vector.multi_reduction <minimumf>, %select_n3A_122, %reduce_min3A_123 [1] : vector<512x1024xf32> to vector<512xf32>
      %broadcast_in_dim3A_125 = vector.shape_cast %reduce_min3A_124 : vector<512xf32> to vector<512x1xf32>
      %get3A_126 = arith.constant 0 : index
      %get3A_127 = arith.constant 0 : index
      %get3A_128 = vector.load %arg11[%get3A_126, %get3A_127] : memref<512x8xf32, #tpu.memory_space<vmem>>, vector<512x8xf32>
      %get3A_129 = arith.constant 0 : index
      %get3A_130 = arith.constant 0 : index
      %get3A_131 = vector.load %arg12[%get3A_129, %get3A_130] : memref<512x8xf32, #tpu.memory_space<vmem>>, vector<512x8xf32>
      %lt3A_132 = vector.broadcast %broadcast_in_dim3A_118 : vector<512x1xf32> to vector<512x8xf32>
      %lt3A_133 = arith.cmpf olt, %get3A_128, %lt3A_132 : vector<512x8xf32>
      %eq3A_134 = vector.broadcast %broadcast_in_dim3A_118 : vector<512x1xf32> to vector<512x8xf32>
      %eq3A_135 = arith.cmpf oeq, %get3A_128, %eq3A_134 : vector<512x8xf32>
      %lt3A_136 = vector.broadcast %broadcast_in_dim3A_125 : vector<512x1xf32> to vector<512x8xf32>
      %lt3A_137 = arith.cmpf olt, %get3A_131, %lt3A_136 : vector<512x8xf32>
      %and3A = arith.andi %eq3A_135, %lt3A_137 : vector<512x8xi1>
      %or3A = arith.ori %lt3A_133, %and3A : vector<512x8xi1>
      %jit3A_138 = arith.constant 1.000000e+00 : f32
      %jit3A_139 = arith.constant 0.000000e+00 : f32
      %broadcast_in_dim3A_140 = vector.broadcast %jit3A_138 : f32 to vector<512x8xf32>
      %broadcast_in_dim3A_141 = vector.broadcast %jit3A_139 : f32 to vector<512x8xf32>
      %select_n3A_142 = arith.select %or3A, %broadcast_in_dim3A_140, %broadcast_in_dim3A_141 : vector<512x8xi1>, vector<512x8xf32>
      %reduce_sum3A_143 = arith.constant dense<0.000000e+00> : vector<512xf32>
      %reduce_sum3A_144 = vector.multi_reduction <add>, %select_n3A_142, %reduce_sum3A_143 [1] : vector<512x8xf32> to vector<512xf32>
      %broadcast_in_dim3A_145 = vector.shape_cast %reduce_sum3A_144 : vector<512xf32> to vector<512x1xf32>
      %slice3A_146 = vector.extract_strided_slice %get3A_128 {offsets = [0, 0], sizes = [512, 1], strides = [1, 1]} : vector<512x8xf32> to vector<512x1xf32>
      %slice3A_147 = vector.extract_strided_slice %get3A_128 {offsets = [0, 0], sizes = [512, 7], strides = [1, 1]} : vector<512x8xf32> to vector<512x7xf32>
      %concatenate3A = tpu.concatenate %slice3A_146, %slice3A_147 in 1 : vector<512x1xf32>, vector<512x7xf32> -> vector<512x8xf32>
      %slice3A_148 = vector.extract_strided_slice %get3A_131 {offsets = [0, 0], sizes = [512, 1], strides = [1, 1]} : vector<512x8xf32> to vector<512x1xf32>
      %slice3A_149 = vector.extract_strided_slice %get3A_131 {offsets = [0, 0], sizes = [512, 7], strides = [1, 1]} : vector<512x8xf32> to vector<512x7xf32>
      %concatenate3A_150 = tpu.concatenate %slice3A_148, %slice3A_149 in 1 : vector<512x1xf32>, vector<512x7xf32> -> vector<512x8xf32>
      %lt3A_151 = vector.broadcast %broadcast_in_dim3A_145 : vector<512x1xf32> to vector<512x8xf32>
      %lt3A_152 = arith.cmpf olt, %convert_element_type3A_58, %lt3A_151 : vector<512x8xf32>
      %eq3A_153 = vector.broadcast %broadcast_in_dim3A_145 : vector<512x1xf32> to vector<512x8xf32>
      %eq3A_154 = arith.cmpf oeq, %convert_element_type3A_58, %eq3A_153 : vector<512x8xf32>
      %broadcast_in_dim3A_155 = vector.shape_cast %broadcast_in_dim3A_118 : vector<512x1xf32> to vector<512x1xf32>
      %broadcast_in_dim3A_156 = vector.broadcast %broadcast_in_dim3A_155 : vector<512x1xf32> to vector<512x8xf32>
      %select_n3A_157 = arith.select %eq3A_154, %broadcast_in_dim3A_156, %concatenate3A : vector<512x8xi1>, vector<512x8xf32>
      %select_n3A_158 = arith.select %lt3A_152, %get3A_128, %select_n3A_157 : vector<512x8xi1>, vector<512x8xf32>
      %swap3A_159 = arith.constant 0 : index
      %swap3A_160 = arith.constant 0 : index
      %swap3A_161 = vector.load %arg11[%swap3A_159, %swap3A_160] : memref<512x8xf32, #tpu.memory_space<vmem>>, vector<512x8xf32>
      tpu.vector_store %arg11[%swap3A_159, %swap3A_160], %select_n3A_158 {strides = array<i32>} : memref<512x8xf32, #tpu.memory_space<vmem>>, vector<512x8xf32>,
      %lt3A_162 = vector.broadcast %broadcast_in_dim3A_145 : vector<512x1xf32> to vector<512x8xf32>
      %lt3A_163 = arith.cmpf olt, %convert_element_type3A_58, %lt3A_162 : vector<512x8xf32>
      %eq3A_164 = vector.broadcast %broadcast_in_dim3A_145 : vector<512x1xf32> to vector<512x8xf32>
      %eq3A_165 = arith.cmpf oeq, %convert_element_type3A_58, %eq3A_164 : vector<512x8xf32>
      %broadcast_in_dim3A_166 = vector.shape_cast %broadcast_in_dim3A_125 : vector<512x1xf32> to vector<512x1xf32>
      %broadcast_in_dim3A_167 = vector.broadcast %broadcast_in_dim3A_166 : vector<512x1xf32> to vector<512x8xf32>
      %select_n3A_168 = arith.select %eq3A_165, %broadcast_in_dim3A_167, %concatenate3A_150 : vector<512x8xi1>, vector<512x8xf32>
      %select_n3A_169 = arith.select %lt3A_163, %get3A_131, %select_n3A_168 : vector<512x8xi1>, vector<512x8xf32>
      %swap3A_170 = arith.constant 0 : index
      %swap3A_171 = arith.constant 0 : index
      %swap3A_172 = vector.load %arg12[%swap3A_170, %swap3A_171] : memref<512x8xf32, #tpu.memory_space<vmem>>, vector<512x8xf32>
      tpu.vector_store %arg12[%swap3A_170, %swap3A_171], %select_n3A_169 {strides = array<i32>} : memref<512x8xf32, #tpu.memory_space<vmem>>, vector<512x8xf32>,
      %eq3A_173 = vector.broadcast %broadcast_in_dim3A_125 : vector<512x1xf32> to vector<512x1024xf32>
      %eq3A_174 = arith.cmpf oeq, %get3A_116, %eq3A_173 : vector<512x1024xf32>
      %get3A_175 = arith.constant 0 : index
      %get3A_176 = arith.constant 0 : index
      %get3A_177 = vector.load %arg9[%get3A_175, %get3A_176] : memref<512x1024xf32, #tpu.memory_space<vmem>>, vector<512x1024xf32>
      %select_n3A_178 = arith.select %eq3A_174, %get3A_177, %get3A_113 : vector<512x1024xi1>, vector<512x1024xf32>
      %swap3A_179 = arith.constant 0 : index
      %swap3A_180 = arith.constant 0 : index
      %swap3A_181 = vector.load %arg7[%swap3A_179, %swap3A_180] : memref<512x1024xf32, #tpu.memory_space<vmem>>, vector<512x1024xf32>
      tpu.vector_store %arg7[%swap3A_179, %swap3A_180], %select_n3A_178 {strides = array<i32>} : memref<512x1024xf32, #tpu.memory_space<vmem>>, vector<512x1024xf32>,
      %get3A_182 = arith.constant 0 : index
      %get3A_183 = arith.constant 0 : index
      %get3A_184 = vector.load %arg10[%get3A_182, %get3A_183] : memref<512x1024xf32, #tpu.memory_space<vmem>>, vector<512x1024xf32>
      %select_n3A_185 = arith.select %eq3A_174, %get3A_184, %get3A_116 : vector<512x1024xi1>, vector<512x1024xf32>
      %swap3A_186 = arith.constant 0 : index
      %swap3A_187 = arith.constant 0 : index
      %swap3A_188 = vector.load %arg8[%swap3A_186, %swap3A_187] : memref<512x1024xf32, #tpu.memory_space<vmem>>, vector<512x1024xf32>
      tpu.vector_store %arg8[%swap3A_186, %swap3A_187], %select_n3A_185 {strides = array<i32>} : memref<512x1024xf32, #tpu.memory_space<vmem>>, vector<512x1024xf32>,
      %get3A_189 = arith.constant 0 : index
      %get3A_190 = arith.constant 0 : index
      %get3A_191 = vector.load %arg9[%get3A_189, %get3A_190] : memref<512x1024xf32, #tpu.memory_space<vmem>>, vector<512x1024xf32>
      %jit3A_192 = arith.constant 0x7F800000 : f32
      %broadcast_in_dim3A_193 = vector.broadcast %jit3A_192 : f32 to vector<512x1024xf32>
      %select_n3A_194 = arith.select %eq3A_174, %broadcast_in_dim3A_193, %get3A_191 : vector<512x1024xi1>, vector<512x1024xf32>
      %swap3A_195 = arith.constant 0 : index
      %swap3A_196 = arith.constant 0 : index
      %swap3A_197 = vector.load %arg9[%swap3A_195, %swap3A_196] : memref<512x1024xf32, #tpu.memory_space<vmem>>, vector<512x1024xf32>
      tpu.vector_store %arg9[%swap3A_195, %swap3A_196], %select_n3A_194 {strides = array<i32>} : memref<512x1024xf32, #tpu.memory_space<vmem>>, vector<512x1024xf32>,
    } else {
    }
    %eq3A_106 = arith.constant 31 : i32
    %eq3A_107 = arith.cmpi eq, %arg1, %eq3A_106 : i32
    %convert_element_type3A_108 = arith.extui %eq3A_107 : i1 to i32
    %cond3A_109 = arith.constant 0 : i32
    %cond3A_110 = arith.cmpi ne, %convert_element_type3A_108, %cond3A_109 : i32
    scf.if %cond3A_110 {
      %get3A_111 = arith.constant 0 : index
      %get3A_112 = arith.constant 0 : index
      %get3A_113 = vector.load %arg12[%get3A_111, %get3A_112] : memref<512x8xf32, #tpu.memory_space<vmem>>, vector<512x8xf32>
      %convert_element_type3A_114 = arith.fptosi %get3A_113 : vector<512x8xf32> to vector<512x8xi32>
      %swap3A_115 = arith.constant 0 : index
      %swap3A_116 = arith.constant 0 : index
      %swap3A_117 = vector.load %arg6[%swap3A_115, %swap3A_116] : memref<512x8xi32, #tpu.memory_space<vmem>>, vector<512x8xi32>
      tpu.vector_store %arg6[%swap3A_115, %swap3A_116], %convert_element_type3A_114 {strides = array<i32>} : memref<512x8xi32, #tpu.memory_space<vmem>>, vector<512x8xi32>,
    } else {
    }
    return
  }
  func.func @transform_0(%arg0: i32, %arg1: i32) -> (i32, i32) {
    %c0_i32 = arith.constant 0 : i32
    %c0_i32_0 = arith.constant 0 : i32
    return %arg0, %c0_i32 : i32, i32
  }
  func.func @transform_1(%arg0: i32, %arg1: i32) -> (i32, i32) {
    %c0_i32 = arith.constant 0 : i32
    %c0_i32_0 = arith.constant 0 : i32
    return %arg1, %c0_i32 : i32, i32
  }
  func.func @transform_2(%arg0: i32, %arg1: i32) -> (i32, i32) {
    %c0_i32 = arith.constant 0 : i32
    %c0_i32_0 = arith.constant 0 : i32
    return %arg0, %c0_i32 : i32, i32
  }
  func.func @transform_3(%arg0: i32, %arg1: i32) -> i32 {
    %c0_i32 = arith.constant 0 : i32
    return %arg1 : i32
  }
  func.func @transform_4(%arg0: i32, %arg1: i32) -> (i32, i32) {
    %c0_i32 = arith.constant 0 : i32
    %c0_i32_0 = arith.constant 0 : i32
    return %arg0, %c0_i32 : i32, i32
  }
}

module attributes {stable_mosaic.version = 14 : i64} {
  func.func @_encode_body(%arg0: i32, %arg1: memref<1024x128xf32, #tpu.memory_space<vmem>>, %arg2: memref<128x3xf32, #tpu.memory_space<vmem>>, %arg3: memref<3x3xf32, #tpu.memory_space<vmem>>, %arg4: memref<1x3xf32, #tpu.memory_space<vmem>>, %arg5: memref<3x3xf32, #tpu.memory_space<vmem>>, %arg6: memref<6x30xf32, #tpu.memory_space<vmem>>, %arg7: memref<32x96xf32, #tpu.memory_space<vmem>>, %arg8: memref<128x8x284xf32, #tpu.memory_space<vmem>>) attributes {dimension_semantics = [#tpu.dimension_semantics<arbitrary>], iteration_bounds = array<i64: 32>, scalar_prefetch = 0 : i64, scratch_operands = 0 : i64, tpu.core_type = #tpu.core_type<tc>, window_params = [{transform_indices = @transform_0, window_bounds = array<i64: 1024, 128>}, {transform_indices = @transform_1, window_bounds = array<i64: 128, 3>}, {pipeline_mode = #tpu.pipeline_mode<synchronous>, transform_indices = @transform_2, window_bounds = array<i64: 3, 3>}, {pipeline_mode = #tpu.pipeline_mode<synchronous>, transform_indices = @transform_3, window_bounds = array<i64: 1, 3>}, {pipeline_mode = #tpu.pipeline_mode<synchronous>, transform_indices = @transform_4, window_bounds = array<i64: 3, 3>}, {pipeline_mode = #tpu.pipeline_mode<synchronous>, transform_indices = @transform_5, window_bounds = array<i64: 6, 30>}, {pipeline_mode = #tpu.pipeline_mode<synchronous>, transform_indices = @transform_6, window_bounds = array<i64: 32, 96>}, {transform_indices = @transform_7, window_bounds = array<i64: 128, 8, 284>}]} {
    %get3A = arith.constant 0 : index
    %get3A_0 = arith.constant 0 : index
    %get3A_1 = vector.load %arg1[%get3A, %get3A_0] : memref<1024x128xf32, #tpu.memory_space<vmem>>, vector<1024x128xf32>
    %get3A_2 = arith.constant 0 : index
    %get3A_3 = arith.constant 0 : index
    %get3A_4 = vector.load %arg2[%get3A_2, %get3A_3] : memref<128x3xf32, #tpu.memory_space<vmem>>, vector<128x3xf32>
    %get3A_5 = arith.constant 0 : index
    %get3A_6 = arith.constant 0 : index
    %get3A_7 = vector.load %arg3[%get3A_5, %get3A_6] : memref<3x3xf32, #tpu.memory_space<vmem>>, vector<3x3xf32>
    %get3A_8 = arith.constant 0 : index
    %get3A_9 = arith.constant 0 : index
    %get3A_10 = vector.load %arg4[%get3A_8, %get3A_9] : memref<1x3xf32, #tpu.memory_space<vmem>>, vector<1x3xf32>
    %get3A_11 = arith.constant 0 : index
    %get3A_12 = arith.constant 0 : index
    %get3A_13 = vector.load %arg5[%get3A_11, %get3A_12] : memref<3x3xf32, #tpu.memory_space<vmem>>, vector<3x3xf32>
    %slice3A = vector.extract_strided_slice %get3A_1 {offsets = [0, 0], sizes = [1024, 3], strides = [1, 1]} : vector<1024x128xf32> to vector<1024x3xf32>
    %slice3A_14 = vector.extract_strided_slice %get3A_1 {offsets = [0, 16], sizes = [1024, 32], strides = [1, 1]} : vector<1024x128xf32> to vector<1024x32xf32>
    %sub3A = vector.broadcast %get3A_10 : vector<1x3xf32> to vector<128x3xf32>
    %sub3A_15 = arith.subf %get3A_4, %sub3A : vector<128x3xf32>
    %slice3A_16 = vector.extract_strided_slice %sub3A_15 {offsets = [0, 0], sizes = [128, 1], strides = [1, 1]} : vector<128x3xf32> to vector<128x1xf32>
    %slice3A_17 = vector.extract_strided_slice %get3A_7 {offsets = [0, 0], sizes = [1, 3], strides = [1, 1]} : vector<3x3xf32> to vector<1x3xf32>
    %mul3A = vector.broadcast %slice3A_16 : vector<128x1xf32> to vector<128x3xf32>
    %mul3A_18 = vector.broadcast %slice3A_17 : vector<1x3xf32> to vector<128x3xf32>
    %mul3A_19 = arith.mulf %mul3A, %mul3A_18 : vector<128x3xf32>
    %slice3A_20 = vector.extract_strided_slice %sub3A_15 {offsets = [0, 1], sizes = [128, 1], strides = [1, 1]} : vector<128x3xf32> to vector<128x1xf32>
    %slice3A_21 = vector.extract_strided_slice %get3A_7 {offsets = [1, 0], sizes = [1, 3], strides = [1, 1]} : vector<3x3xf32> to vector<1x3xf32>
    %mul3A_22 = vector.broadcast %slice3A_20 : vector<128x1xf32> to vector<128x3xf32>
    %mul3A_23 = vector.broadcast %slice3A_21 : vector<1x3xf32> to vector<128x3xf32>
    %mul3A_24 = arith.mulf %mul3A_22, %mul3A_23 : vector<128x3xf32>
    %add3A = arith.addf %mul3A_19, %mul3A_24 : vector<128x3xf32>
    %slice3A_25 = vector.extract_strided_slice %sub3A_15 {offsets = [0, 2], sizes = [128, 1], strides = [1, 1]} : vector<128x3xf32> to vector<128x1xf32>
    %slice3A_26 = vector.extract_strided_slice %get3A_7 {offsets = [2, 0], sizes = [1, 3], strides = [1, 1]} : vector<3x3xf32> to vector<1x3xf32>
    %mul3A_27 = vector.broadcast %slice3A_25 : vector<128x1xf32> to vector<128x3xf32>
    %mul3A_28 = vector.broadcast %slice3A_26 : vector<1x3xf32> to vector<128x3xf32>
    %mul3A_29 = arith.mulf %mul3A_27, %mul3A_28 : vector<128x3xf32>
    %add3A_30 = arith.addf %add3A, %mul3A_29 : vector<128x3xf32>
    %slice3A_31 = vector.extract_strided_slice %add3A_30 {offsets = [0, 2], sizes = [128, 1], strides = [1, 1]} : vector<128x3xf32> to vector<128x1xf32>
    %slice3A_32 = vector.extract_strided_slice %add3A_30 {offsets = [0, 0], sizes = [128, 1], strides = [1, 1]} : vector<128x3xf32> to vector<128x1xf32>
    %div3A = arith.divf %slice3A_32, %slice3A_31 : vector<128x1xf32>
    %slice3A_33 = vector.extract_strided_slice %add3A_30 {offsets = [0, 1], sizes = [128, 1], strides = [1, 1]} : vector<128x3xf32> to vector<128x1xf32>
    %div3A_34 = arith.divf %slice3A_33, %slice3A_31 : vector<128x1xf32>
    %sub3A_35 = vector.broadcast %get3A_10 : vector<1x3xf32> to vector<1024x3xf32>
    %sub3A_36 = arith.subf %slice3A, %sub3A_35 : vector<1024x3xf32>
    %slice3A_37 = vector.extract_strided_slice %sub3A_36 {offsets = [0, 0], sizes = [1024, 1], strides = [1, 1]} : vector<1024x3xf32> to vector<1024x1xf32>
    %slice3A_38 = vector.extract_strided_slice %get3A_7 {offsets = [0, 0], sizes = [1, 3], strides = [1, 1]} : vector<3x3xf32> to vector<1x3xf32>
    %mul3A_39 = vector.broadcast %slice3A_37 : vector<1024x1xf32> to vector<1024x3xf32>
    %mul3A_40 = vector.broadcast %slice3A_38 : vector<1x3xf32> to vector<1024x3xf32>
    %mul3A_41 = arith.mulf %mul3A_39, %mul3A_40 : vector<1024x3xf32>
    %slice3A_42 = vector.extract_strided_slice %sub3A_36 {offsets = [0, 1], sizes = [1024, 1], strides = [1, 1]} : vector<1024x3xf32> to vector<1024x1xf32>
    %slice3A_43 = vector.extract_strided_slice %get3A_7 {offsets = [1, 0], sizes = [1, 3], strides = [1, 1]} : vector<3x3xf32> to vector<1x3xf32>
    %mul3A_44 = vector.broadcast %slice3A_42 : vector<1024x1xf32> to vector<1024x3xf32>
    %mul3A_45 = vector.broadcast %slice3A_43 : vector<1x3xf32> to vector<1024x3xf32>
    %mul3A_46 = arith.mulf %mul3A_44, %mul3A_45 : vector<1024x3xf32>
    %add3A_47 = arith.addf %mul3A_41, %mul3A_46 : vector<1024x3xf32>
    %slice3A_48 = vector.extract_strided_slice %sub3A_36 {offsets = [0, 2], sizes = [1024, 1], strides = [1, 1]} : vector<1024x3xf32> to vector<1024x1xf32>
    %slice3A_49 = vector.extract_strided_slice %get3A_7 {offsets = [2, 0], sizes = [1, 3], strides = [1, 1]} : vector<3x3xf32> to vector<1x3xf32>
    %mul3A_50 = vector.broadcast %slice3A_48 : vector<1024x1xf32> to vector<1024x3xf32>
    %mul3A_51 = vector.broadcast %slice3A_49 : vector<1x3xf32> to vector<1024x3xf32>
    %mul3A_52 = arith.mulf %mul3A_50, %mul3A_51 : vector<1024x3xf32>
    %add3A_53 = arith.addf %add3A_47, %mul3A_52 : vector<1024x3xf32>
    %slice3A_54 = vector.extract_strided_slice %add3A_53 {offsets = [0, 2], sizes = [1024, 1], strides = [1, 1]} : vector<1024x3xf32> to vector<1024x1xf32>
    %slice3A_55 = vector.extract_strided_slice %add3A_53 {offsets = [0, 0], sizes = [1024, 1], strides = [1, 1]} : vector<1024x3xf32> to vector<1024x1xf32>
    %div3A_56 = arith.divf %slice3A_55, %slice3A_54 : vector<1024x1xf32>
    %slice3A_57 = vector.extract_strided_slice %add3A_53 {offsets = [0, 1], sizes = [1024, 1], strides = [1, 1]} : vector<1024x3xf32> to vector<1024x1xf32>
    %div3A_58 = arith.divf %slice3A_57, %slice3A_54 : vector<1024x1xf32>
    %mul3A_59 = arith.mulf %div3A_56, %slice3A_54 : vector<1024x1xf32>
    %mul3A_60 = arith.mulf %div3A, %slice3A_31 : vector<128x1xf32>
    %broadcast_in_dim3A = vector.shape_cast %mul3A_60 : vector<128x1xf32> to vector<128x1x1xf32>
    %broadcast_in_dim3A_61 = vector.shape_cast %broadcast_in_dim3A : vector<128x1x1xf32> to vector<128x1x1xf32>
    %broadcast_in_dim3A_62 = vector.broadcast %broadcast_in_dim3A_61 : vector<128x1x1xf32> to vector<128x8x1xf32>
    %reshape3A = vector.shape_cast %broadcast_in_dim3A_62 : vector<128x8x1xf32> to vector<1024x1xf32>
    %sub3A_63 = arith.subf %mul3A_59, %reshape3A : vector<1024x1xf32>
    %mul3A_64 = arith.mulf %div3A_58, %slice3A_54 : vector<1024x1xf32>
    %mul3A_65 = arith.mulf %div3A_34, %slice3A_31 : vector<128x1xf32>
    %broadcast_in_dim3A_66 = vector.shape_cast %mul3A_65 : vector<128x1xf32> to vector<128x1x1xf32>
    %broadcast_in_dim3A_67 = vector.shape_cast %broadcast_in_dim3A_66 : vector<128x1x1xf32> to vector<128x1x1xf32>
    %broadcast_in_dim3A_68 = vector.broadcast %broadcast_in_dim3A_67 : vector<128x1x1xf32> to vector<128x8x1xf32>
    %reshape3A_69 = vector.shape_cast %broadcast_in_dim3A_68 : vector<128x8x1xf32> to vector<1024x1xf32>
    %sub3A_70 = arith.subf %mul3A_64, %reshape3A_69 : vector<1024x1xf32>
    %broadcast_in_dim3A_71 = vector.shape_cast %slice3A_31 : vector<128x1xf32> to vector<128x1x1xf32>
    %broadcast_in_dim3A_72 = vector.shape_cast %broadcast_in_dim3A_71 : vector<128x1x1xf32> to vector<128x1x1xf32>
    %broadcast_in_dim3A_73 = vector.broadcast %broadcast_in_dim3A_72 : vector<128x1x1xf32> to vector<128x8x1xf32>
    %reshape3A_74 = vector.shape_cast %broadcast_in_dim3A_73 : vector<128x8x1xf32> to vector<1024x1xf32>
    %sub3A_75 = arith.subf %slice3A_54, %reshape3A_74 : vector<1024x1xf32>
    %broadcast_in_dim3A_76 = vector.shape_cast %get3A_4 : vector<128x3xf32> to vector<128x1x3xf32>
    %broadcast_in_dim3A_77 = vector.shape_cast %broadcast_in_dim3A_76 : vector<128x1x3xf32> to vector<128x1x3xf32>
    %broadcast_in_dim3A_78 = vector.broadcast %broadcast_in_dim3A_77 : vector<128x1x3xf32> to vector<128x8x3xf32>
    %reshape3A_79 = vector.shape_cast %broadcast_in_dim3A_78 : vector<128x8x3xf32> to vector<1024x3xf32>
    %sub3A_80 = arith.subf %slice3A, %reshape3A_79 : vector<1024x3xf32>
    %div3A_81 = arith.constant 0.00692820362 : f32
    %div3A_82 = vector.broadcast %div3A_81 : f32 to vector<1024x3xf32>
    %div3A_83 = arith.divf %sub3A_80, %div3A_82 : vector<1024x3xf32>
    %dot_general3A = arith.constant dense<0.000000e+00> : vector<1024x3xf32>
    %dot_general3A_84 = tpu.matmul %div3A_83, %get3A_13, %dot_general3A {dimension_numbers = #tpu.dot_dimension_numbers<[1], [0], [0], [1], [0, 0, 1, 1], [], []>, transpose_lhs_hint = false} : vector<1024x3xf32>, vector<3x3xf32>, vector<1024x3xf32> -> vector<1024x3xf32>
    %div3A_85 = arith.constant 0.00692820362 : f32
    %div3A_86 = vector.broadcast %div3A_85 : f32 to vector<1024x1xf32>
    %div3A_87 = arith.divf %sub3A_63, %div3A_86 : vector<1024x1xf32>
    %div3A_88 = arith.constant 0.00692820362 : f32
    %div3A_89 = vector.broadcast %div3A_88 : f32 to vector<1024x1xf32>
    %div3A_90 = arith.divf %sub3A_70, %div3A_89 : vector<1024x1xf32>
    %div3A_91 = arith.constant 0.00692820362 : f32
    %div3A_92 = vector.broadcast %div3A_91 : f32 to vector<1024x1xf32>
    %div3A_93 = arith.divf %sub3A_75, %div3A_92 : vector<1024x1xf32>
    %concatenate3A = tpu.concatenate %dot_general3A_84, %div3A_87, %div3A_90, %div3A_93 in 1 : vector<1024x3xf32>, vector<1024x1xf32>, vector<1024x1xf32>, vector<1024x1xf32> -> vector<1024x6xf32>
    %get3A_94 = arith.constant 0 : index
    %get3A_95 = arith.constant 0 : index
    %get3A_96 = vector.load %arg6[%get3A_94, %get3A_95] : memref<6x30xf32, #tpu.memory_space<vmem>>, vector<6x30xf32>
    %convert_element_type3A = arith.truncf %concatenate3A : vector<1024x6xf32> to vector<1024x6xbf16>
    %convert_element_type3A_97 = arith.extf %convert_element_type3A : vector<1024x6xbf16> to vector<1024x6xf32>
    %sub3A_98 = arith.subf %concatenate3A, %convert_element_type3A_97 : vector<1024x6xf32>
    %convert_element_type3A_99 = arith.truncf %sub3A_98 : vector<1024x6xf32> to vector<1024x6xbf16>
    %convert_element_type3A_100 = arith.extf %convert_element_type3A_99 : vector<1024x6xbf16> to vector<1024x6xf32>
    %sub3A_101 = arith.subf %concatenate3A, %convert_element_type3A_97 : vector<1024x6xf32>
    %sub3A_102 = arith.subf %sub3A_101, %convert_element_type3A_100 : vector<1024x6xf32>
    %dot_general3A_103 = arith.constant dense<0.000000e+00> : vector<1024x30xf32>
    %dot_general3A_104 = tpu.matmul %convert_element_type3A_97, %get3A_96, %dot_general3A_103 {dimension_numbers = #tpu.dot_dimension_numbers<[1], [0], [0], [1], [0, 0, 1, 1], [], []>, transpose_lhs_hint = false} : vector<1024x6xf32>, vector<6x30xf32>, vector<1024x30xf32> -> vector<1024x30xf32>
    %dot_general3A_105 = arith.constant dense<0.000000e+00> : vector<1024x30xf32>
    %dot_general3A_106 = tpu.matmul %convert_element_type3A_100, %get3A_96, %dot_general3A_105 {dimension_numbers = #tpu.dot_dimension_numbers<[1], [0], [0], [1], [0, 0, 1, 1], [], []>, transpose_lhs_hint = false} : vector<1024x6xf32>, vector<6x30xf32>, vector<1024x30xf32> -> vector<1024x30xf32>
    %add3A_107 = arith.addf %dot_general3A_104, %dot_general3A_106 : vector<1024x30xf32>
    %dot_general3A_108 = arith.constant dense<0.000000e+00> : vector<1024x30xf32>
    %dot_general3A_109 = tpu.matmul %sub3A_102, %get3A_96, %dot_general3A_108 {dimension_numbers = #tpu.dot_dimension_numbers<[1], [0], [0], [1], [0, 0, 1, 1], [], []>, transpose_lhs_hint = false} : vector<1024x6xf32>, vector<6x30xf32>, vector<1024x30xf32> -> vector<1024x30xf32>
    %add3A_110 = arith.addf %add3A_107, %dot_general3A_109 : vector<1024x30xf32>
    %get3A_111 = arith.constant 0 : index
    %get3A_112 = arith.constant 0 : index
    %get3A_113 = vector.load %arg7[%get3A_111, %get3A_112] : memref<32x96xf32, #tpu.memory_space<vmem>>, vector<32x96xf32>
    %convert_element_type3A_114 = arith.truncf %slice3A_14 : vector<1024x32xf32> to vector<1024x32xbf16>
    %convert_element_type3A_115 = arith.extf %convert_element_type3A_114 : vector<1024x32xbf16> to vector<1024x32xf32>
    %sub3A_116 = arith.subf %slice3A_14, %convert_element_type3A_115 : vector<1024x32xf32>
    %convert_element_type3A_117 = arith.truncf %sub3A_116 : vector<1024x32xf32> to vector<1024x32xbf16>
    %convert_element_type3A_118 = arith.extf %convert_element_type3A_117 : vector<1024x32xbf16> to vector<1024x32xf32>
    %sub3A_119 = arith.subf %slice3A_14, %convert_element_type3A_115 : vector<1024x32xf32>
    %sub3A_120 = arith.subf %sub3A_119, %convert_element_type3A_118 : vector<1024x32xf32>
    %dot_general3A_121 = arith.constant dense<0.000000e+00> : vector<1024x96xf32>
    %dot_general3A_122 = tpu.matmul %convert_element_type3A_115, %get3A_113, %dot_general3A_121 {dimension_numbers = #tpu.dot_dimension_numbers<[1], [0], [0], [1], [0, 0, 1, 1], [], []>, transpose_lhs_hint = false} : vector<1024x32xf32>, vector<32x96xf32>, vector<1024x96xf32> -> vector<1024x96xf32>
    %dot_general3A_123 = arith.constant dense<0.000000e+00> : vector<1024x96xf32>
    %dot_general3A_124 = tpu.matmul %convert_element_type3A_118, %get3A_113, %dot_general3A_123 {dimension_numbers = #tpu.dot_dimension_numbers<[1], [0], [0], [1], [0, 0, 1, 1], [], []>, transpose_lhs_hint = false} : vector<1024x32xf32>, vector<32x96xf32>, vector<1024x96xf32> -> vector<1024x96xf32>
    %add3A_125 = arith.addf %dot_general3A_122, %dot_general3A_124 : vector<1024x96xf32>
    %dot_general3A_126 = arith.constant dense<0.000000e+00> : vector<1024x96xf32>
    %dot_general3A_127 = tpu.matmul %sub3A_120, %get3A_113, %dot_general3A_126 {dimension_numbers = #tpu.dot_dimension_numbers<[1], [0], [0], [1], [0, 0, 1, 1], [], []>, transpose_lhs_hint = false} : vector<1024x32xf32>, vector<32x96xf32>, vector<1024x96xf32> -> vector<1024x96xf32>
    %add3A_128 = arith.addf %add3A_125, %dot_general3A_127 : vector<1024x96xf32>
    %sin3A = math.sin %add3A_128 : vector<1024x96xf32>
    %cos3A = math.cos %add3A_128 : vector<1024x96xf32>
    %sin3A_129 = math.sin %add3A_110 : vector<1024x30xf32>
    %cos3A_130 = math.cos %add3A_110 : vector<1024x30xf32>
    %concatenate3A_131 = tpu.concatenate %slice3A_14, %sin3A, %cos3A, %sin3A_129, %cos3A_130 in 1 : vector<1024x32xf32>, vector<1024x96xf32>, vector<1024x96xf32>, vector<1024x30xf32>, vector<1024x30xf32> -> vector<1024x284xf32>
    %reshape3A_132 = vector.shape_cast %concatenate3A_131 : vector<1024x284xf32> to vector<128x8x284xf32>
    %swap3A = arith.constant 0 : index
    %swap3A_133 = arith.constant 0 : index
    %swap3A_134 = arith.constant 0 : index
    %swap3A_135 = vector.load %arg8[%swap3A, %swap3A_133, %swap3A_134] : memref<128x8x284xf32, #tpu.memory_space<vmem>>, vector<128x8x284xf32>
    tpu.vector_store %arg8[%swap3A, %swap3A_133, %swap3A_134], %reshape3A_132 {strides = array<i32>} : memref<128x8x284xf32, #tpu.memory_space<vmem>>, vector<128x8x284xf32>,
    return
  }
  func.func @transform_0(%arg0: i32) -> (i32, i32) {
    %c0_i32 = arith.constant 0 : i32
    %c0_i32_0 = arith.constant 0 : i32
    return %arg0, %c0_i32 : i32, i32
  }
  func.func @transform_1(%arg0: i32) -> (i32, i32) {
    %c0_i32 = arith.constant 0 : i32
    %c0_i32_0 = arith.constant 0 : i32
    return %arg0, %c0_i32 : i32, i32
  }
  func.func @transform_2(%arg0: i32) -> (i32, i32) {
    %c0_i32 = arith.constant 0 : i32
    %c0_i32_0 = arith.constant 0 : i32
    %c0_i32_1 = arith.constant 0 : i32
    return %c0_i32, %c0_i32_0 : i32, i32
  }
  func.func @transform_3(%arg0: i32) -> (i32, i32) {
    %c0_i32 = arith.constant 0 : i32
    %c0_i32_0 = arith.constant 0 : i32
    %c0_i32_1 = arith.constant 0 : i32
    return %c0_i32, %c0_i32_0 : i32, i32
  }
  func.func @transform_4(%arg0: i32) -> (i32, i32) {
    %c0_i32 = arith.constant 0 : i32
    %c0_i32_0 = arith.constant 0 : i32
    %c0_i32_1 = arith.constant 0 : i32
    return %c0_i32, %c0_i32_0 : i32, i32
  }
  func.func @transform_5(%arg0: i32) -> (i32, i32) {
    %c0_i32 = arith.constant 0 : i32
    %c0_i32_0 = arith.constant 0 : i32
    %c0_i32_1 = arith.constant 0 : i32
    return %c0_i32, %c0_i32_0 : i32, i32
  }
  func.func @transform_6(%arg0: i32) -> (i32, i32) {
    %c0_i32 = arith.constant 0 : i32
    %c0_i32_0 = arith.constant 0 : i32
    %c0_i32_1 = arith.constant 0 : i32
    return %c0_i32, %c0_i32_0 : i32, i32
  }
  func.func @transform_7(%arg0: i32) -> (i32, i32, i32) {
    %c0_i32 = arith.constant 0 : i32
    %c0_i32_0 = arith.constant 0 : i32
    %c0_i32_1 = arith.constant 0 : i32
    return %arg0, %c0_i32, %c0_i32_0 : i32, i32, i32
  }
}

</mosaic_0001>

<sc_bundles>
// kernel: kernel.5.cloned.1.call-start
scs
__scs_entry_jumppad:
0x0: {  	(pc) =	sbr.rel $0x88, $3  }
0x1: {  	(tag) =	ssettag $0x0;
	lr =	simm.s32 $0x1  }
0x2: {  	[smem:$0x3F9B] =	sst lr;
	_ =	strace $0xD0000000  }
0x3: {  	_ = 	snop  }
0x4: {  	_ = 	snop  }
0x5: {  	_ = 	snop  }
0x6: {  	_ = 	snop  }
0x7: {  	_ = 	snop  }
__scs_overlays_trampoline_lowered:
0x8: {  	[smem:$0x3FAA] =	sst s0  }
0x9: {  	[smem:$0x3FAB] =	sst s1  }
0xa: {  	[smem:$0x3FAC] =	sst s2  }
0xb: {  	[smem:$0x3FAD] =	sst s3  }
0xc: {  	[smem:$0x3FAE] =	sst s4  }
0xd: {  	[smem:$0x3FAF] =	sst s5  }
0xe: {  	[smem:$0x3FB0] =	sst s6  }
0xf: {  	[smem:$0x3FB1] =	sst s7  }
0x10: {  	[smem:$0x3FB2] =	sst s8  }
0x11: {  	[smem:$0x3FB3] =	sst s9;
	s0 =	simm.s32 @!p0 $0x0  }
0x12: {  	s1 =	sld [smem:$0x3F99];
	s0 =	simm.s32 @p0 $0x1  }
0x13: {  	[smem:$0x3FB4] =	sst s0;
	s0 =	simm.s32 @!p1 $0x0  }
0x14: {  	s2 =	sld [smem:$0x3F98];
	s0 =	simm.s32 @p1 $0x1  }
0x15: {  	[smem:$0x3FB5] =	sst s0;
	s0 =	simm.s32 @!p2 $0x0  }
0x16: {  	s3 =	sld [smem:$0x3FDB];
	s0 =	simm.s32 @p2 $0x1  }
0x17: {  	s4 =	simm.s32 $0x1BF5;
	[smem:$0x3FB7] =	sst s0  }
0x18: {  	s0 =	sld [smem:$0x3F9A];
	_ =	swait.ge [sflag:s4], $0x0  }
0x19: {  	s7 =	sld [smem:$0x3F9B]  }
0x1a: {  	s8 =	sadd.s32 $0xFFFFE003, lr  }
0x1b: {  	s9 =	sadd.s32 $0xFFFFFEF7, lr;
	s5 =	simm.s32 $0xFFFFFFFF;
	p2 =	slt.u32 s8, $0xFFFFF086  }
0x1c: {  	p1 =	slt.u32 s9, $0xF7A;
	s5 =	simm.s32 @!p2 $0x0  }
0x1d: {  	s5 =	simm.s32 @p1 $0x1;
	p0 =	seq.s32 s7, s2  }
0x1e: {  	s7 =	smul.u32 @!p0 $0xF7A, s2;
	p2 =	seq.s32 @!p0 s5, $0x0  }
0x1f: {  	s9 =	smul.u32 $0xF7A, s1;
	s8 =	simm.s32 @!p0 $0x1BF5;
	p2 =	por !p2, p0  }
0x20: {  	[sflag:s8] =	ssyncset.s32 @!p0 $0xFFFFF086;
	s6 =	sadd.s32 @!p0 s3, s7;
	s7 =	simm.s32 @!p0 $0x108  }
0x21: {  	s3 =	sadd.s32 s3, s9;
	s6 =	sadd.s32 @!p0 $0x88, s6;
	s7 =	simm.s32 @p2 $0x1082  }
0x22: {  	[simem:s7], [sflag:s8] =	dma.local @!p0 [hbm:s6], $0xF7A  }
0x23: {  	s9 =	sor.u32 $0xD0000000, s2;
	s6 =	simm.s32 $0x108;
	_ =	swait.ge @!p0 [sflag:s8], $0x0  }
0x24: {  	s3 =	sadd.s32 $0x88, s3;
	s6 =	simm.s32 @!p1 $0x1082;
	[sflag:s4] =	ssyncset.s32 $0xFFFFF086  }
0x25: {  	[simem:s6], [sflag:s4] =	dma.local [hbm:s3], $0xF7A  }
0x26: {  	[smem:$0x3F9B] =	sst s1;
	(tag) =	ssettag s2;
	_ =	strace s9  }
0x27: {  	s1 =	sld [smem:$0x3FAB]  }
0x28: {  	s2 =	sld [smem:$0x3FAC]  }
0x29: {  	s4 =	sld [smem:$0x3FAE]  }
0x2a: {  	p0 =	seq.s32 s5, $0x0;
	s5 =	sld [smem:$0x3FAF]  }
0x2b: {  	s6 =	sld [smem:$0x3FB0]  }
0x2c: {  	s7 =	sld [smem:$0x3FB1]  }
0x2d: {  	s3 =	simm.s32 $0x108;
	s8 =	sld [smem:$0x3FB2]  }
0x2e: {  	s3 =	simm.s32 @!p0 $0x1082;
	s9 =	sld [smem:$0x3FB3]  }
0x2f: {  	lr =	sadd.s32 s0, s3;
	s0 =	sld [smem:$0x3FAA]  }
0x30: {  	s3 =	sld [smem:$0x3FAD]  }
0x31: {  	[smem:$0x3FB6] =	sst s10  }
0x32: {  	s10 =	sld [smem:$0x3FB4];
	_ =	sdelay $0x3  }
0x33: {  	p0 =	seq.s32 s10, $0x1;
	s10 =	sld [smem:$0x3FB6];
	_ =	sdelay $0x3  }
0x34: {  	[smem:$0x3FB6] =	sst s10  }
0x35: {  	s10 =	sld [smem:$0x3FB5];
	_ =	sdelay $0x3  }
0x36: {  	p1 =	seq.s32 s10, $0x1;
	s10 =	sld [smem:$0x3FB6];
	_ =	sdelay $0x3  }
0x37: {  	[smem:$0x3FB6] =	sst s10  }
0x38: {  	s10 =	sld [smem:$0x3FB7]  }
0x39: {  	_ = 	snop;
	(pc) =	sbr.ind lr, $3  }
0x3a: {  	_ = 	snop  }
0x3b: {  	_ = 	snop  }
0x3c: {  	p2 =	seq.s32 s10, $0x1;
	s10 =	sld [smem:$0x3FB6]  }
0x3d: {  	_ =	shalt  }
0x3e: {  	_ =	shalt  }
0x3f: {  	_ =	shalt  }
0x40: {  	_ =	shalt  }
0x41: {  	_ =	shalt  }
0x42: {  	_ =	shalt  }
0x43: {  	_ =	shalt  }
0x44: {  	_ =	shalt  }
0x45: {  	_ =	shalt  }
0x46: {  	_ =	shalt  }
0x47: {  	_ =	shalt  }
0x48: {  	_ =	shalt  }
0x49: {  	_ =	shalt  }
0x4a: {  	_ =	shalt  }
0x4b: {  	_ =	shalt  }
0x4c: {  	_ =	shalt  }
0x4d: {  	_ =	shalt  }
0x4e: {  	_ =	shalt  }
0x4f: {  	_ =	shalt  }
0x50: {  	_ =	shalt  }
0x51: {  	_ =	shalt  }
0x52: {  	_ =	shalt  }
0x53: {  	_ =	shalt  }
0x54: {  	_ =	shalt  }
0x55: {  	_ =	shalt  }
0x56: {  	_ =	shalt  }
0x57: {  	_ =	shalt  }
0x58: {  	_ =	shalt  }
0x59: {  	_ =	shalt  }
0x5a: {  	_ =	shalt  }
0x5b: {  	_ =	shalt  }
0x5c: {  	_ =	shalt  }
0x5d: {  	_ =	shalt  }
0x5e: {  	_ =	shalt  }
0x5f: {  	_ =	shalt  }
0x60: {  	_ =	shalt  }
0x61: {  	_ =	shalt  }
0x62: {  	_ =	shalt  }
0x63: {  	_ =	shalt  }
0x64: {  	_ =	shalt  }
0x65: {  	_ =	shalt  }
0x66: {  	_ =	shalt  }
0x67: {  	_ =	shalt  }
0x68: {  	_ =	shalt  }
0x69: {  	_ =	shalt  }
0x6a: {  	_ =	shalt  }
0x6b: {  	_ =	shalt  }
0x6c: {  	_ =	shalt  }
0x6d: {  	_ =	shalt  }
0x6e: {  	_ =	shalt  }
0x6f: {  	_ =	shalt  }
0x70: {  	_ =	shalt  }
0x71: {  	_ =	shalt  }
0x72: {  	_ =	shalt  }
0x73: {  	_ =	shalt  }
0x74: {  	_ =	shalt  }
0x75: {  	_ =	shalt  }
0x76: {  	_ =	shalt  }
0x77: {  	_ =	shalt  }
0x78: {  	_ =	shalt  }
0x79: {  	_ =	shalt  }
0x7a: {  	_ =	shalt  }
0x7b: {  	_ =	shalt  }
0x7c: {  	_ =	shalt  }
0x7d: {  	_ =	shalt  }
0x7e: {  	_ =	shalt  }
0x7f: {  	_ =	shalt  }
0x80: {  	_ =	shalt  }
0x81: {  	_ =	shalt  }
0x82: {  	_ =	shalt  }
0x83: {  	_ =	shalt  }
0x84: {  	_ =	shalt  }
0x85: {  	_ =	shalt  }
0x86: {  	_ =	shalt  }
0x87: {  	_ =	shalt  }
.Lfunc_end0:
.L_simem_size_0:
called_computation_lowered:
.L_overlay_start_0:
0x88: {  	s2 =	sld [smem:$0x3FD9]  }
0x89: {  	s3 =	sld [smem:$0x3FFE];
	_ =	sdelay $0x1  }
0x8a: {  	s1 =	srdreg.scid  }
0x8b: {  	s0 =	sand.u32 $0x1, s1  }
0x8c: {  	s17 =	sshll.u32 s0, $0xA;
	s2 =	sadd.s32 s3, s2  }
0x8d: {  	s2 =	sadd.s32 s2, s17  }
0x8e: {  	[smem:$0x3FC2] =	sst s2  }
0x8f: {  	_ = 	snop  }
0x90: {  	s2 =	sld [smem:$0x3FD0];
	(tm) =	ssettm $0x1  }
0x91: {  	s18 =	sld [smem:$0x3FFB];
	_ =	sdelay $0x3  }
0x92: {  	_ =	strace s18  }
0x93: {  	s3 =	sld [smem:$0x3FFC];
	_ =	sdelay $0x3  }
0x94: {  	_ =	strace s3  }
0x95: {  	s3 =	sld [smem:$0x3FFD];
	_ =	sdelay $0x3  }
0x96: {  	_ =	strace s3  }
0x97: {  	_ =	strace $0x8FFFFFFF  }
0x98: {  	s19 =	sld [smem:$0x3FDB];
	_ =	sdelay $0x1  }
0x99: {  	s4 =	simm.s32 $_scs_section_size  }
0x9a: {  	s5 =	simm.s32 $_size__tile_overlayer_lowered;
	s6 =	simm.s32 $_tile_overlayer_lowered  }
0x9b: {  	s22 =	simm.s32 $0x1BFF;
	s21 =	sshll.u32 s6, $0x1;
	s3 =	sadd.s32 s4, s19  }
0x9c: {  	s7 =	simm.s32 $0x0;
	s20 =	sshll.u32 s5, $0x1;
	s5 =	sadd.s32 s21, s3  }
0x9d: {  	[timem:s7], [sflag:s22] =	dma.local [hbm:s5], s20  }
0x9e: {  	_ =	swait.ge [sflag:s22], s20  }
0x9f: {  	s4 =	ssub.s32 $0x0, s20;
	[sflag:s22] =	ssyncset.done $0x0  }
0xa0: {  	[sflag:s22] =	ssyncadd.s32 s4;
	_ =	sdelay $0x1  }
0xa1: {  	s23 =	simm.s32 $0x1B8B  }
0xa2: {  	_ =	swait.ge [sflag:s23], $0x1  }
0xa3: {  	[sflag:s23] =	ssyncset.done $0x0  }
0xa4: {  	s25 =	simm.s32 $0x1B8E;
	s24 =	sld [smem:$0x3FFE];
	[sflag:s23] =	ssyncadd.s32 $0xFFFFFFFF  }
0xa5: {  	s26 =	simm.s32 $execute0_lowered;
	[smem:$0x3FD2] =	sst s25  }
0xa6: {  	s5 =	sshll.u32 s26, $0x1;
	_ =	strace $0x80000046;
	[dreg:$0x1] =	wrdreg $0xFFFFFFFF  }
0xa7: {  	s28 =	simm.s32 $_size_execute0_lowered;
	s3 =	sadd.s32 s3, s5;
	[dreg:$0x0] =	wrdreg $0x0  }
0xa8: {  	s5 =	sshll.u32 s28, $0x1;
	[dreg:$0x2] =	wrdreg s3  }
0xa9: {  	[dreg:$0x3] =	wrdreg s5  }
0xaa: {  	[dreg:$0x4] =	wrdreg $0xC0  }
0xab: {  	_ =	task [dreg:s7], $0x5FFFF  }
0xac: {  	[dreg:$0x1] =	wrdreg $0xFFFFFFFF  }
0xad: {  	[dreg:$0x0] =	wrdreg $0x60  }
0xae: {  	[dreg:$0x2] =	wrdreg s24  }
0xaf: {  	[dreg:$0x3] =	wrdreg s2  }
0xb0: {  	[dreg:$0x4] =	wrdreg $0x9  }
0xb1: {  	_ =	task.clear_ibuf [dreg:s7], $0x5FFFF;
	_ =	strace $0x90000046  }
0xb2: {  	s29 =	simm.s32 $0x9;
	_ =	strace $0x80000048  }
0xb3: {  	_ =	swait.ge [sflag:s29], $0x1  }
0xb4: {  	[sflag:s29] =	ssyncadd.s32 $0xFFFFFFFF  }
0xb5: {  	_ =	strace $0x90000048  }
0xb6: {  	_ =	sfence  }
0xb7: {  	s30 =	sld [smem:$0x0];
	_ =	sdelay $0x2  }
0xb8: {  	s31 =	sshll.u32 s1, $0xD;
	s1 =	sshrl.u32 s1, $0x2  }
0xb9: {  	s3 =	sand.u32 $0x4000, s31;
	s1 =	sadd.s32 s1, s30  }
0xba: {  	s0 =	sor.u32 s3, s0;
	s1 =	sshll.u32 s1, $0x11  }
0xbb: {  	s0 =	sor.u32 s1, s0  }
0xbc: {  	s0 =	sadd.s32 $0x8F2B, s0  }
0xbd: {  	[sflag:s0] =	ssyncadd.remote.s32 $0x1  }
0xbe: {  	_ =	sfence.sel $0xFFFF  }
0xbf: {  	[dreg:$0x0] =	wrdreg $0xFFFFFFFF;
	(pc) =	sbr.abs _section_cstart, $3  }
0xc0: {  	[dreg:$0x1] =	wrdreg $0xFFFFFFFF  }
0xc1: {  	_ =	task.clear_ibuf [dreg:s7], $0x2FFFF;
	_ =	strace $0x9FFFFFFF  }
0xc2: {  	(tm) =	ssettm $0x7FFFFFFF  }
0xc3: {  	_ =	shalt  }
tec
execute0_lowered:
.L_overlay_start_1:
0x0: {  	(tag) =	ssettag $0x1  }
0x1: {  	s1 =	srdreg.scid  }
0x2: {  	s5 =	rddreg [dreg:$0x0];
	s0 =	stileid.u32;
	s23 =	sand.u32 $0x1, s1  }
0x3: {  	s22 =	rddreg [dreg:$0x1];
	s3 =	sshll.u32 s0, $0xB;
	s4 =	sshll.u32 s23, $0xA  }
0x4: {  	s2 =	simm.s32 $0x0;
	s1 =	rddreg [dreg:$0x2];
	s24 =	sor.u32 s4, s3  }
0x5: {  	[smem:$0x7FF] =	sst s2;
	s21 =	sadd.s32 $0x101000, s5;
	s3 =	sshrl.u32 s24, $0x3  }
0x6: {  	_ =	strace $0x80000047;
	s4 =	sadd.s32 s21, s3;
	s3 =	simm.s32 $0x2  }
0x7: {  	[tilespmem:s2], [sflag:$0x2] =	stream.linear.gather [hbm4b:s4+s2], $0x80, $0x38;
	[tilespmem:$0x4080] =	vst v63  }
0x8: {  	_ =	swait.ge [sflag:s3], $0x80  }
0x9: {  	s6 =	simm.s32 $0x80;
	[sflag:s3] =	ssyncset.done $0x0  }
0xa: {  	s7 =	simm.s32 $0x1;
	s5 =	sadd.s32 $0x102000, s5;
	[sflag:s3] =	ssyncadd.s32 $0xFFFFFF80  }
0xb: {  	[tilespmem:s6], [sflag:$0x1] =	stream.indirect.gather [hbm4b:s5+s6], $0x80, s2, s6, $0xb8;
	[tilespmem:$0x4080] =	vst v63  }
0xc: {  	_ =	swait.ge [sflag:s7], $0x4000  }
0xd: {  	s8 =	sshll.u32 s24, $0x4;
	[sflag:s7] =	ssyncset.done $0x0  }
0xe: {  	s8 =	sadd.s32 s22, s8;
	[sflag:s7] =	ssyncadd.s32 $0xFFFFC000  }
0xf: {  	[hbm4b:s8+s2] =	stream.linear.scatter [tilespmem:s6], [sflag:$0x2], $0x4000, $0x38;
	[tilespmem:$0x4080] =	vst v63  }
0x10: {  	s10 =	sor.u32 $0x80, s24;
	_ =	swait.ge [sflag:s3], $0x4000  }
0x11: {  	s9 =	sshrl.u32 s10, $0x3;
	[sflag:s3] =	ssyncset.done $0x0  }
0x12: {  	s9 =	sadd.s32 s21, s9;
	[sflag:s3] =	ssyncadd.s32 $0xFFFFC000  }
0x13: {  	[tilespmem:s2], [sflag:$0x2] =	stream.linear.gather [hbm4b:s9+s2], $0x80, $0x38;
	[tilespmem:$0x4080] =	vst v63  }
0x14: {  	_ =	swait.ge [sflag:s3], $0x80  }
0x15: {  	[sflag:s3] =	ssyncset.done $0x0  }
0x16: {  	[sflag:s3] =	ssyncadd.s32 $0xFFFFFF80  }
0x17: {  	[tilespmem:s6], [sflag:$0x1] =	stream.indirect.gather [hbm4b:s5+s6], $0x80, s2, s6, $0xb8;
	[tilespmem:$0x4080] =	vst v63  }
0x18: {  	_ =	swait.ge [sflag:s7], $0x4000  }
0x19: {  	s10 =	sshll.u32 s10, $0x4;
	[sflag:s7] =	ssyncset.done $0x0  }
0x1a: {  	s10 =	sadd.s32 s22, s10;
	[sflag:s7] =	ssyncadd.s32 $0xFFFFC000  }
0x1b: {  	[hbm4b:s10+s2] =	stream.linear.scatter [tilespmem:s6], [sflag:$0x2], $0x4000, $0x38;
	[tilespmem:$0x4080] =	vst v63  }
0x1c: {  	s12 =	sor.u32 $0x100, s24;
	_ =	swait.ge [sflag:s3], $0x4000  }
0x1d: {  	s11 =	sshrl.u32 s12, $0x3;
	[sflag:s3] =	ssyncset.done $0x0  }
0x1e: {  	s11 =	sadd.s32 s21, s11;
	[sflag:s3] =	ssyncadd.s32 $0xFFFFC000  }
0x1f: {  	[tilespmem:s2], [sflag:$0x2] =	stream.linear.gather [hbm4b:s11+s2], $0x80, $0x38;
	[tilespmem:$0x4080] =	vst v63  }
0x20: {  	_ =	swait.ge [sflag:s3], $0x80  }
0x21: {  	[sflag:s3] =	ssyncset.done $0x0  }
0x22: {  	[sflag:s3] =	ssyncadd.s32 $0xFFFFFF80  }
0x23: {  	[tilespmem:s6], [sflag:$0x1] =	stream.indirect.gather [hbm4b:s5+s6], $0x80, s2, s6, $0xb8;
	[tilespmem:$0x4080] =	vst v63  }
0x24: {  	_ =	swait.ge [sflag:s7], $0x4000  }
0x25: {  	s12 =	sshll.u32 s12, $0x4;
	[sflag:s7] =	ssyncset.done $0x0  }
0x26: {  	s12 =	sadd.s32 s22, s12;
	[sflag:s7] =	ssyncadd.s32 $0xFFFFC000  }
0x27: {  	[hbm4b:s12+s2] =	stream.linear.scatter [tilespmem:s6], [sflag:$0x2], $0x4000, $0x38;
	[tilespmem:$0x4080] =	vst v63  }
0x28: {  	s14 =	sor.u32 $0x180, s24;
	_ =	swait.ge [sflag:s3], $0x4000  }
0x29: {  	s13 =	sshrl.u32 s14, $0x3;
	[sflag:s3] =	ssyncset.done $0x0  }
0x2a: {  	s13 =	sadd.s32 s21, s13;
	[sflag:s3] =	ssyncadd.s32 $0xFFFFC000  }
0x2b: {  	[tilespmem:s2], [sflag:$0x2] =	stream.linear.gather [hbm4b:s13+s2], $0x80, $0x38;
	[tilespmem:$0x4080] =	vst v63  }
0x2c: {  	_ =	swait.ge [sflag:s3], $0x80  }
0x2d: {  	[sflag:s3] =	ssyncset.done $0x0  }
0x2e: {  	[sflag:s3] =	ssyncadd.s32 $0xFFFFFF80  }
0x2f: {  	[tilespmem:s6], [sflag:$0x1] =	stream.indirect.gather [hbm4b:s5+s6], $0x80, s2, s6, $0xb8;
	[tilespmem:$0x4080] =	vst v63  }
0x30: {  	_ =	swait.ge [sflag:s7], $0x4000  }
0x31: {  	s14 =	sshll.u32 s14, $0x4;
	[sflag:s7] =	ssyncset.done $0x0  }
0x32: {  	s14 =	sadd.s32 s22, s14;
	[sflag:s7] =	ssyncadd.s32 $0xFFFFC000  }
0x33: {  	[hbm4b:s14+s2] =	stream.linear.scatter [tilespmem:s6], [sflag:$0x2], $0x4000, $0x38;
	[tilespmem:$0x4080] =	vst v63  }
0x34: {  	s16 =	sor.u32 $0x200, s24;
	_ =	swait.ge [sflag:s3], $0x4000  }
0x35: {  	s15 =	sshrl.u32 s16, $0x3;
	[sflag:s3] =	ssyncset.done $0x0  }
0x36: {  	s15 =	sadd.s32 s21, s15;
	[sflag:s3] =	ssyncadd.s32 $0xFFFFC000  }
0x37: {  	[tilespmem:s2], [sflag:$0x2] =	stream.linear.gather [hbm4b:s15+s2], $0x80, $0x38;
	[tilespmem:$0x4080] =	vst v63  }
0x38: {  	_ =	swait.ge [sflag:s3], $0x80  }
0x39: {  	[sflag:s3] =	ssyncset.done $0x0  }
0x3a: {  	[sflag:s3] =	ssyncadd.s32 $0xFFFFFF80  }
0x3b: {  	[tilespmem:s6], [sflag:$0x1] =	stream.indirect.gather [hbm4b:s5+s6], $0x80, s2, s6, $0xb8;
	[tilespmem:$0x4080] =	vst v63  }
0x3c: {  	_ =	swait.ge [sflag:s7], $0x4000  }
0x3d: {  	s16 =	sshll.u32 s16, $0x4;
	[sflag:s7] =	ssyncset.done $0x0  }
0x3e: {  	s16 =	sadd.s32 s22, s16;
	[sflag:s7] =	ssyncadd.s32 $0xFFFFC000  }
0x3f: {  	[hbm4b:s16+s2] =	stream.linear.scatter [tilespmem:s6], [sflag:$0x2], $0x4000, $0x38;
	[tilespmem:$0x4080] =	vst v63  }
0x40: {  	s18 =	sor.u32 $0x280, s24;
	_ =	swait.ge [sflag:s3], $0x4000  }
0x41: {  	s17 =	sshrl.u32 s18, $0x3;
	[sflag:s3] =	ssyncset.done $0x0  }
0x42: {  	s17 =	sadd.s32 s21, s17;
	[sflag:s3] =	ssyncadd.s32 $0xFFFFC000  }
0x43: {  	[tilespmem:s2], [sflag:$0x2] =	stream.linear.gather [hbm4b:s17+s2], $0x80, $0x38;
	[tilespmem:$0x4080] =	vst v63  }
0x44: {  	_ =	swait.ge [sflag:s3], $0x80  }
0x45: {  	[sflag:s3] =	ssyncset.done $0x0  }
0x46: {  	[sflag:s3] =	ssyncadd.s32 $0xFFFFFF80  }
0x47: {  	[tilespmem:s6], [sflag:$0x1] =	stream.indirect.gather [hbm4b:s5+s6], $0x80, s2, s6, $0xb8;
	[tilespmem:$0x4080] =	vst v63  }
0x48: {  	_ =	swait.ge [sflag:s7], $0x4000  }
0x49: {  	s18 =	sshll.u32 s18, $0x4;
	[sflag:s7] =	ssyncset.done $0x0  }
0x4a: {  	s18 =	sadd.s32 s22, s18;
	[sflag:s7] =	ssyncadd.s32 $0xFFFFC000  }
0x4b: {  	[hbm4b:s18+s2] =	stream.linear.scatter [tilespmem:s6], [sflag:$0x2], $0x4000, $0x38;
	[tilespmem:$0x4080] =	vst v63  }
0x4c: {  	s20 =	sor.u32 $0x300, s24;
	_ =	swait.ge [sflag:s3], $0x4000  }
0x4d: {  	s19 =	sshrl.u32 s20, $0x3;
	[sflag:s3] =	ssyncset.done $0x0  }
0x4e: {  	s19 =	sadd.s32 s21, s19;
	[sflag:s3] =	ssyncadd.s32 $0xFFFFC000  }
0x4f: {  	[tilespmem:s2], [sflag:$0x2] =	stream.linear.gather [hbm4b:s19+s2], $0x80, $0x38;
	[tilespmem:$0x4080] =	vst v63  }
0x50: {  	_ =	swait.ge [sflag:s3], $0x80  }
0x51: {  	[sflag:s3] =	ssyncset.done $0x0  }
0x52: {  	[sflag:s3] =	ssyncadd.s32 $0xFFFFFF80  }
0x53: {  	[tilespmem:s6], [sflag:$0x1] =	stream.indirect.gather [hbm4b:s5+s6], $0x80, s2, s6, $0xb8;
	[tilespmem:$0x4080] =	vst v63  }
0x54: {  	_ =	swait.ge [sflag:s7], $0x4000  }
0x55: {  	s20 =	sshll.u32 s20, $0x4;
	[sflag:s7] =	ssyncset.done $0x0  }
0x56: {  	s20 =	sadd.s32 s22, s20;
	[sflag:s7] =	ssyncadd.s32 $0xFFFFC000  }
0x57: {  	[hbm4b:s20+s2] =	stream.linear.scatter [tilespmem:s6], [sflag:$0x2], $0x4000, $0x38;
	[tilespmem:$0x4080] =	vst v63  }
0x58: {  	s24 =	sor.u32 $0x380, s24;
	_ =	swait.ge [sflag:s3], $0x4000  }
0x59: {  	s25 =	sshrl.u32 s24, $0x3;
	[sflag:s3] =	ssyncset.done $0x0  }
0x5a: {  	s23 =	ssub.s32 $0x2, s23;
	s21 =	sadd.s32 s21, s25;
	[sflag:s3] =	ssyncadd.s32 $0xFFFFC000  }
0x5b: {  	[tilespmem:s2], [sflag:$0x2] =	stream.linear.gather [hbm4b:s21+s2], $0x80, $0x38;
	[tilespmem:$0x4080] =	vst v63  }
0x5c: {  	s31 =	sshrl.u32 s23, $0x1;
	_ =	swait.ge [sflag:s3], $0x80  }
0x5d: {  	s23 =	ssub.s32 s23, s31;
	[sflag:s3] =	ssyncset.done $0x0  }
0x5e: {  	s23 =	smax.u32 s23, $0x1;
	[sflag:s3] =	ssyncadd.s32 $0xFFFFFF80  }
0x5f: {  	[tilespmem:s6], [sflag:$0x1] =	stream.indirect.gather [hbm4b:s5+s6], $0x80, s2, s6, $0xb8;
	[tilespmem:$0x4080] =	vst v63  }
0x60: {  	p0 =	sne.s32 s23, $0x1;
	_ =	swait.ge [sflag:s7], $0x4000  }
.Ltmp0:
0x61: {  	s24 =	sshll.u32 s24, $0x4;
	[sflag:s7] =	ssyncset.done $0x0;
	(pc) =	sbr.rel @!p0 .LBB2_2-.Ltmp0, $4  }
0x62: {  	s22 =	sadd.s32 s22, s24;
	[sflag:s7] =	ssyncadd.s32 $0xFFFFC000  }
0x63: {  	[hbm4b:s22+s2] =	stream.linear.scatter [tilespmem:s6], [sflag:$0x2], $0x4000, $0x38;
	[tilespmem:$0x4080] =	vst v63  }
0x64: {  	_ =	swait.ge [sflag:s3], $0x4000  }
0x65: {  	s23 =	sadd.s32 $0xFFFFFFFF, s23;
	[sflag:s3] =	ssyncset.done $0x0  }
.LBB2_1:
0x66: {  	p0 =	sne.s32 s23, $0x1;
	s23 =	sadd.s32 $0xFFFFFFFF, s23;
	[sflag:s3] =	ssyncadd.s32 $0xFFFFC000  }
0x67: {  	[tilespmem:s2], [sflag:$0x2] =	stream.linear.gather [hbm4b:s4+s2], $0x80, $0x38;
	[tilespmem:$0x4080] =	vst v63  }
0x68: {  	_ =	swait.ge [sflag:s3], $0x80  }
0x69: {  	[sflag:s3] =	ssyncset.done $0x0  }
0x6a: {  	[sflag:s3] =	ssyncadd.s32 $0xFFFFFF80  }
0x6b: {  	[tilespmem:s6], [sflag:$0x1] =	stream.indirect.gather [hbm4b:s5+s6], $0x80, s2, s6, $0xb8;
	[tilespmem:$0x4080] =	vst v63  }
0x6c: {  	_ =	swait.ge [sflag:s7], $0x4000  }
0x6d: {  	[sflag:s7] =	ssyncset.done $0x0  }
0x6e: {  	[sflag:s7] =	ssyncadd.s32 $0xFFFFC000  }
0x6f: {  	[hbm4b:s8+s2] =	stream.linear.scatter [tilespmem:s6], [sflag:$0x2], $0x4000, $0x38;
	[tilespmem:$0x4080] =	vst v63  }
0x70: {  	_ =	swait.ge [sflag:s3], $0x4000  }
0x71: {  	[sflag:s3] =	ssyncset.done $0x0  }
0x72: {  	[sflag:s3] =	ssyncadd.s32 $0xFFFFC000  }
0x73: {  	[tilespmem:s2], [sflag:$0x2] =	stream.linear.gather [hbm4b:s9+s2], $0x80, $0x38;
	[tilespmem:$0x4080] =	vst v63  }
0x74: {  	_ =	swait.ge [sflag:s3], $0x80  }
0x75: {  	[sflag:s3] =	ssyncset.done $0x0  }
0x76: {  	[sflag:s3] =	ssyncadd.s32 $0xFFFFFF80  }
0x77: {  	[tilespmem:s6], [sflag:$0x1] =	stream.indirect.gather [hbm4b:s5+s6], $0x80, s2, s6, $0xb8;
	[tilespmem:$0x4080] =	vst v63  }
0x78: {  	_ =	swait.ge [sflag:s7], $0x4000  }
0x79: {  	[sflag:s7] =	ssyncset.done $0x0  }
0x7a: {  	[sflag:s7] =	ssyncadd.s32 $0xFFFFC000  }
0x7b: {  	[hbm4b:s10+s2] =	stream.linear.scatter [tilespmem:s6], [sflag:$0x2], $0x4000, $0x38;
	[tilespmem:$0x4080] =	vst v63  }
0x7c: {  	_ =	swait.ge [sflag:s3], $0x4000  }
0x7d: {  	[sflag:s3] =	ssyncset.done $0x0  }
0x7e: {  	[sflag:s3] =	ssyncadd.s32 $0xFFFFC000  }
0x7f: {  	[tilespmem:s2], [sflag:$0x2] =	stream.linear.gather [hbm4b:s11+s2], $0x80, $0x38;
	[tilespmem:$0x4080] =	vst v63  }
0x80: {  	_ =	swait.ge [sflag:s3], $0x80  }
0x81: {  	[sflag:s3] =	ssyncset.done $0x0  }
0x82: {  	[sflag:s3] =	ssyncadd.s32 $0xFFFFFF80  }
0x83: {  	[tilespmem:s6], [sflag:$0x1] =	stream.indirect.gather [hbm4b:s5+s6], $0x80, s2, s6, $0xb8;
	[tilespmem:$0x4080] =	vst v63  }
0x84: {  	_ =	swait.ge [sflag:s7], $0x4000  }
0x85: {  	[sflag:s7] =	ssyncset.done $0x0  }
0x86: {  	[sflag:s7] =	ssyncadd.s32 $0xFFFFC000  }
0x87: {  	[hbm4b:s12+s2] =	stream.linear.scatter [tilespmem:s6], [sflag:$0x2], $0x4000, $0x38;
	[tilespmem:$0x4080] =	vst v63  }
0x88: {  	_ =	swait.ge [sflag:s3], $0x4000  }
0x89: {  	[sflag:s3] =	ssyncset.done $0x0  }
0x8a: {  	[sflag:s3] =	ssyncadd.s32 $0xFFFFC000  }
0x8b: {  	[tilespmem:s2], [sflag:$0x2] =	stream.linear.gather [hbm4b:s13+s2], $0x80, $0x38;
	[tilespmem:$0x4080] =	vst v63  }
0x8c: {  	_ =	swait.ge [sflag:s3], $0x80  }
0x8d: {  	[sflag:s3] =	ssyncset.done $0x0  }
0x8e: {  	[sflag:s3] =	ssyncadd.s32 $0xFFFFFF80  }
0x8f: {  	[tilespmem:s6], [sflag:$0x1] =	stream.indirect.gather [hbm4b:s5+s6], $0x80, s2, s6, $0xb8;
	[tilespmem:$0x4080] =	vst v63  }
0x90: {  	_ =	swait.ge [sflag:s7], $0x4000  }
0x91: {  	[sflag:s7] =	ssyncset.done $0x0  }
0x92: {  	[sflag:s7] =	ssyncadd.s32 $0xFFFFC000  }
0x93: {  	[hbm4b:s14+s2] =	stream.linear.scatter [tilespmem:s6], [sflag:$0x2], $0x4000, $0x38;
	[tilespmem:$0x4080] =	vst v63  }
0x94: {  	_ =	swait.ge [sflag:s3], $0x4000  }
0x95: {  	[sflag:s3] =	ssyncset.done $0x0  }
0x96: {  	[sflag:s3] =	ssyncadd.s32 $0xFFFFC000  }
0x97: {  	[tilespmem:s2], [sflag:$0x2] =	stream.linear.gather [hbm4b:s15+s2], $0x80, $0x38;
	[tilespmem:$0x4080] =	vst v63  }
0x98: {  	_ =	swait.ge [sflag:s3], $0x80  }
0x99: {  	[sflag:s3] =	ssyncset.done $0x0  }
0x9a: {  	[sflag:s3] =	ssyncadd.s32 $0xFFFFFF80  }
0x9b: {  	[tilespmem:s6], [sflag:$0x1] =	stream.indirect.gather [hbm4b:s5+s6], $0x80, s2, s6, $0xb8;
	[tilespmem:$0x4080] =	vst v63  }
0x9c: {  	_ =	swait.ge [sflag:s7], $0x4000  }
0x9d: {  	[sflag:s7] =	ssyncset.done $0x0  }
0x9e: {  	[sflag:s7] =	ssyncadd.s32 $0xFFFFC000  }
0x9f: {  	[hbm4b:s16+s2] =	stream.linear.scatter [tilespmem:s6], [sflag:$0x2], $0x4000, $0x38;
	[tilespmem:$0x4080] =	vst v63  }
0xa0: {  	_ =	swait.ge [sflag:s3], $0x4000  }
0xa1: {  	[sflag:s3] =	ssyncset.done $0x0  }
0xa2: {  	[sflag:s3] =	ssyncadd.s32 $0xFFFFC000  }
0xa3: {  	[tilespmem:s2], [sflag:$0x2] =	stream.linear.gather [hbm4b:s17+s2], $0x80, $0x38;
	[tilespmem:$0x4080] =	vst v63  }
0xa4: {  	_ =	swait.ge [sflag:s3], $0x80  }
0xa5: {  	[sflag:s3] =	ssyncset.done $0x0  }
0xa6: {  	[sflag:s3] =	ssyncadd.s32 $0xFFFFFF80  }
0xa7: {  	[tilespmem:s6], [sflag:$0x1] =	stream.indirect.gather [hbm4b:s5+s6], $0x80, s2, s6, $0xb8;
	[tilespmem:$0x4080] =	vst v63  }
0xa8: {  	_ =	swait.ge [sflag:s7], $0x4000  }
0xa9: {  	[sflag:s7] =	ssyncset.done $0x0  }
0xaa: {  	[sflag:s7] =	ssyncadd.s32 $0xFFFFC000  }
0xab: {  	[hbm4b:s18+s2] =	stream.linear.scatter [tilespmem:s6], [sflag:$0x2], $0x4000, $0x38;
	[tilespmem:$0x4080] =	vst v63  }
0xac: {  	_ =	swait.ge [sflag:s3], $0x4000  }
0xad: {  	[sflag:s3] =	ssyncset.done $0x0  }
0xae: {  	[sflag:s3] =	ssyncadd.s32 $0xFFFFC000  }
0xaf: {  	[tilespmem:s2], [sflag:$0x2] =	stream.linear.gather [hbm4b:s19+s2], $0x80, $0x38;
	[tilespmem:$0x4080] =	vst v63  }
0xb0: {  	_ =	swait.ge [sflag:s3], $0x80  }
0xb1: {  	[sflag:s3] =	ssyncset.done $0x0  }
0xb2: {  	[sflag:s3] =	ssyncadd.s32 $0xFFFFFF80  }
0xb3: {  	[tilespmem:s6], [sflag:$0x1] =	stream.indirect.gather [hbm4b:s5+s6], $0x80, s2, s6, $0xb8;
	[tilespmem:$0x4080] =	vst v63  }
0xb4: {  	_ =	swait.ge [sflag:s7], $0x4000  }
0xb5: {  	[sflag:s7] =	ssyncset.done $0x0  }
0xb6: {  	[sflag:s7] =	ssyncadd.s32 $0xFFFFC000  }
0xb7: {  	[hbm4b:s20+s2] =	stream.linear.scatter [tilespmem:s6], [sflag:$0x2], $0x4000, $0x38;
	[tilespmem:$0x4080] =	vst v63  }
0xb8: {  	_ =	swait.ge [sflag:s3], $0x4000  }
0xb9: {  	[sflag:s3] =	ssyncset.done $0x0  }
0xba: {  	[sflag:s3] =	ssyncadd.s32 $0xFFFFC000  }
0xbb: {  	[tilespmem:s2], [sflag:$0x2] =	stream.linear.gather [hbm4b:s21+s2], $0x80, $0x38;
	[tilespmem:$0x4080] =	vst v63  }
0xbc: {  	_ =	swait.ge [sflag:s3], $0x80  }
0xbd: {  	[sflag:s3] =	ssyncset.done $0x0  }
0xbe: {  	[sflag:s3] =	ssyncadd.s32 $0xFFFFFF80  }
0xbf: {  	[tilespmem:s6], [sflag:$0x1] =	stream.indirect.gather [hbm4b:s5+s6], $0x80, s2, s6, $0xb8;
	[tilespmem:$0x4080] =	vst v63  }
0xc0: {  	_ =	swait.ge [sflag:s7], $0x4000  }
.Ltmp1:
0xc1: {  	[sflag:s7] =	ssyncset.done $0x0;
	(pc) =	sbr.rel @p0 .LBB2_1-.Ltmp1, $4  }
0xc2: {  	[sflag:s7] =	ssyncadd.s32 $0xFFFFC000  }
0xc3: {  	[hbm4b:s22+s2] =	stream.linear.scatter [tilespmem:s6], [sflag:$0x2], $0x4000, $0x38;
	[tilespmem:$0x4080] =	vst v63  }
0xc4: {  	_ =	swait.ge [sflag:s3], $0x4000  }
0xc5: {  	[sflag:s3] =	ssyncset.done $0x0  }
.LBB2_2:
0xc6: {  	[sflag:s3] =	ssyncadd.s32 $0xFFFFC000  }
0xc7: {  	_ =	sfence.sel $0x180000  }
0xc8: {  	[bflag:$0x0] =	sbarrier.arrive $0xFFFF  }
0xc9: {  	p0 =	sne.s32 s0, $0x0;
	_ =	strace $0x90000047  }
0xca: {  	s0 =	sadd.s32 @!p0 $0x100000, s1;
	[bflag:$0x2] =	sbarrier.arrive $0xFFFF  }
0xcb: {  	[sflag:s0] =	ssyncadd.tile.s32 @!p0 $0x1;
	_ =	shalt  }
.Lfunc_end2:
_tile_overlayer_lowered:
.L_overlay_start_2:
0xcc: {  	(tag) =	ssettag $0x2  }
0xcd: {  	s0 =	rddreg [dreg:$0x0];
	s2 =	stileid.u32  }
0xce: {  	s1 =	rddreg [dreg:$0x1];
	p0 =	sne.s32 s2, $0x0  }
0xcf: {  	s3 =	rddreg [dreg:$0x2];
	[bflag:$0x3] =	sbarrier.arrive $0xFFFF;
	s2 =	simm.s32 @!p0 $0x1C02  }
0xd0: {  	[timem:s3], [sflag:s2] =	dma.local @!p0 [hbm:s0], s1  }
0xd1: {  	s0 =	simm.s32 @!p0 $0x2  }
0xd2: {  	_ =	swait.ge @!p0 [sflag:s0], s1  }
0xd3: {  	s1 =	ssub.s32 @!p0 $0x0, s1;
	[sflag:s0] =	ssyncset.done @!p0 $0x0  }
0xd4: {  	[sflag:s0] =	ssyncadd.s32 @!p0 s1  }
0xd5: {  	[bflag:$0x3] =	sbarrier.arrive $0xFFFF  }
0xd6: {  	_ =	shalt  }

</sc_bundles>
